<compile_context>
chip_gen: v7x
topology: tpu7x:2x2x1
jax: 0.10.2.dev20260603
libtpu: 0.0.44.dev20260713+nightly
codegen_flags: <defaults>
</compile_context>

<pallas_src>
import functools

import jax
import jax.numpy as jnp
from jax import lax
from jax.experimental import pallas as pl
from jax.experimental.pallas import tpu as pltpu
from jax.experimental.pallas import tpu_sc as plsc

N = 10000
E = 320000
D = 128
DE = 16

NC = 2
NS = 16
LANES = 16

CHUNK = 80
EDGES_PER_TILE = E // (NC * NS)
CHUNKS_PER_TILE = EDGES_PER_TILE // CHUNK
IDX_GROUP = 25
NUM_GROUPS = CHUNKS_PER_TILE // IDX_GROUP
ROWS_PER_TILE = 624
ROWS_TAIL = N - ROWS_PER_TILE * NS


def _ssp(x):
    return jnp.maximum(x, 0.0) + jnp.log1p(jnp.exp(-jnp.abs(x))) - jnp.log(2.0)



def _hp_body(h_ref, w_ref, b_ref, o_ref):
    o_ref[...] = (
        jnp.dot(h_ref[...], w_ref[...], preferred_element_type=jnp.float32)
        + b_ref[...]
    )


def _edge_mlp_body(e_ref, w1_ref, b1_ref, w2_ref, b2_ref, o_ref):
    t = _ssp(
        jnp.dot(e_ref[...], w1_ref[...], preferred_element_type=jnp.float32)
        + b1_ref[...]
    )
    o_ref[...] = _ssp(
        jnp.dot(t, w2_ref[...], preferred_element_type=jnp.float32) + b2_ref[...]
    )


def _final_body(agg_ref, h_ref, w1_ref, b1_ref, w2_ref, b2_ref, o_ref):
    a = agg_ref[0] + agg_ref[1]
    t = _ssp(
        jnp.dot(a, w1_ref[...], preferred_element_type=jnp.float32) + b1_ref[...]
    )
    o_ref[...] = (
        jnp.dot(t, w2_ref[...], preferred_element_type=jnp.float32)
        + b2_ref[...]
        + h_ref[...]
    )


def _hp_call(h, wnT, bn):
    bN = 1000
    return pl.pallas_call(
        _hp_body,
        grid=(N // bN,),
        in_specs=[
            pl.BlockSpec((bN, D), lambda i: (i, 0)),
            pl.BlockSpec((D, D), lambda i: (0, 0)),
            pl.BlockSpec((1, D), lambda i: (0, 0)),
        ],
        out_specs=pl.BlockSpec((bN, D), lambda i: (i, 0)),
        out_shape=jax.ShapeDtypeStruct((N, D), jnp.float32),
    )(h, wnT, bn)


def _edge_mlp_call(e, w1T, b1, w2T, b2):
    bE = 2000
    return pl.pallas_call(
        _edge_mlp_body,
        grid=(E // bE,),
        in_specs=[
            pl.BlockSpec((bE, DE), lambda i: (i, 0)),
            pl.BlockSpec((DE, D), lambda i: (0, 0)),
            pl.BlockSpec((1, D), lambda i: (0, 0)),
            pl.BlockSpec((D, D), lambda i: (0, 0)),
            pl.BlockSpec((1, D), lambda i: (0, 0)),
        ],
        out_specs=pl.BlockSpec((bE, D), lambda i: (i, 0)),
        out_shape=jax.ShapeDtypeStruct((E, D), jnp.float32),
    )(e, w1T, b1, w2T, b2)


def _final_call(agg2, h, w1T, b1, w2T, b2):
    bN = 1000
    return pl.pallas_call(
        _final_body,
        grid=(N // bN,),
        in_specs=[
            pl.BlockSpec((NC, bN, D), lambda i: (0, i, 0)),
            pl.BlockSpec((bN, D), lambda i: (i, 0)),
            pl.BlockSpec((D, D), lambda i: (0, 0)),
            pl.BlockSpec((1, D), lambda i: (0, 0)),
            pl.BlockSpec((D, D), lambda i: (0, 0)),
            pl.BlockSpec((1, D), lambda i: (0, 0)),
        ],
        out_specs=pl.BlockSpec((bN, D), lambda i: (i, 0)),
        out_shape=jax.ShapeDtypeStruct((N, D), jnp.float32),
    )(agg2, h, w1T, b1, w2T, b2)



def _sc_body(hp_hbm, e2_hbm, src_hbm, dst_hbm, z_hbm, out_hbm,
             agg_spmem, src_v, dst_v, rows_v, e2_v, gsem):
    c = lax.axis_index("c")
    s = lax.axis_index("s")
    wid = c * NS + s
    edge_base = wid * EDGES_PER_TILE

    pltpu.sync_copy(
        z_hbm.at[pl.ds(0, ROWS_PER_TILE)],
        agg_spmem.at[pl.ds(s * ROWS_PER_TILE, ROWS_PER_TILE)],
    )

    @pl.when(s == 0)
    def _zero_tail():
        pltpu.sync_copy(
            z_hbm.at[pl.ds(0, ROWS_TAIL)],
            agg_spmem.at[pl.ds(NS * ROWS_PER_TILE, ROWS_TAIL)],
        )

    plsc.subcore_barrier()

    def group(g, carry0):
        pltpu.sync_copy(src_hbm.at[wid, g], src_v)
        pltpu.sync_copy(dst_hbm.at[wid, g], dst_v)

        def chunk(j, carry):
            pltpu.async_copy(hp_hbm.at[src_v.at[j]], rows_v, gsem).wait()
            pltpu.sync_copy(
                e2_hbm.at[pl.ds(edge_base + (g * IDX_GROUP + j) * CHUNK, CHUNK)],
                e2_v,
            )

            def row(r, carry2):
                for l in range(D // LANES):
                    sl = pl.ds(l * LANES, LANES)
                    rows_v[r, sl] = rows_v[r, sl] * e2_v[r, sl]
                return carry2
            lax.fori_loop(0, CHUNK, row, 0)
            pltpu.sync_copy(rows_v, agg_spmem.at[dst_v.at[j]], add=True)
            return carry

        lax.fori_loop(0, IDX_GROUP, chunk, 0)
        return carry0

    lax.fori_loop(0, NUM_GROUPS, group, 0)

    plsc.subcore_barrier()
    pltpu.sync_copy(
        agg_spmem.at[pl.ds(s * ROWS_PER_TILE, ROWS_PER_TILE)],
        out_hbm.at[c, pl.ds(s * ROWS_PER_TILE, ROWS_PER_TILE)],
    )

    @pl.when(s == 0)
    def _out_tail():
        pltpu.sync_copy(
            agg_spmem.at[pl.ds(NS * ROWS_PER_TILE, ROWS_TAIL)],
            out_hbm.at[c, pl.ds(NS * ROWS_PER_TILE, ROWS_TAIL)],
        )


def _sc_call(hp, e2, src_mat, dst_mat, zeros):
    mesh = plsc.VectorSubcoreMesh(core_axis_name="c", subcore_axis_name="s")
    kern = pl.kernel(
        _sc_body,
        out_type=jax.ShapeDtypeStruct((NC, N, D), jnp.float32),
        mesh=mesh,
        scratch_types=[
            pltpu.VMEM_SHARED((N, D), jnp.float32),
            pltpu.VMEM((IDX_GROUP, CHUNK), jnp.int32),
            pltpu.VMEM((IDX_GROUP, CHUNK), jnp.int32),
            pltpu.VMEM((CHUNK, D), jnp.float32),
            pltpu.VMEM((CHUNK, D), jnp.float32),
            pltpu.SemaphoreType.DMA,
        ],
    )
    return kern(hp, e2, src_mat, dst_mat, zeros)


def kernel(h, e, edge_index, Wn, bn_, We1, be1, We2, be2, Wf1, bf1, Wf2, bf2):
    hp = _hp_call(h, Wn.T, bn_.reshape(1, D))
    e2 = _edge_mlp_call(e, We1.T, be1.reshape(1, D), We2.T, be2.reshape(1, D))
    src_mat = edge_index[0].reshape(NC * NS, NUM_GROUPS, IDX_GROUP, CHUNK)
    dst_mat = edge_index[1].reshape(NC * NS, NUM_GROUPS, IDX_GROUP, CHUNK)
    zeros = jnp.zeros((ROWS_PER_TILE, D), jnp.float32)
    agg2 = _sc_call(hp, e2, src_mat, dst_mat, zeros)
    return _final_call(agg2, h, Wf1.T, bf1.reshape(1, D), Wf2.T, bf2.reshape(1, D))

# --- scband reference (transcript-rebuilt; emitter-appended) ---
"""Pipeline reference for scband-schnetlayer-46102178955282 (READ-ONLY COPY).

The authoritative reference and input builder live on the scoring server;
editing this copy changes nothing except your own understanding.
"""

import jax, jax.numpy as jnp
import numpy as np

N = 10000
E = 320000
D = 128
DE = 16


def _ssp(x):
    # shifted softplus: softplus(x) - log(2)
    return jax.nn.softplus(x) - jnp.log(2.0)


def setup_inputs(seed: int = 0) -> dict:
    key = jax.random.key(seed)
    ks = jax.random.split(key, 16)
    h = jax.random.normal(ks[0], (N, D), dtype=jnp.float32)
    e = jax.random.normal(ks[1], (E, DE), dtype=jnp.float32)
    edge_index = jax.random.randint(ks[2], (2, E), 0, N, dtype=jnp.int32)
    s = 1.0 / np.sqrt(D)
    se = 1.0 / np.sqrt(DE)
    Wn = jax.random.uniform(ks[3], (D, D), jnp.float32, -s, s)
    bn_ = jax.random.uniform(ks[4], (D,), jnp.float32, -s, s)
    We1 = jax.random.uniform(ks[5], (D, DE), jnp.float32, -se, se)
    be1 = jax.random.uniform(ks[6], (D,), jnp.float32, -se, se)
    We2 = jax.random.uniform(ks[7], (D, D), jnp.float32, -s, s)
    be2 = jax.random.uniform(ks[8], (D,), jnp.float32, -s, s)
    Wf1 = jax.random.uniform(ks[9], (D, D), jnp.float32, -s, s)
    bf1 = jax.random.uniform(ks[10], (D,), jnp.float32, -s, s)
    Wf2 = jax.random.uniform(ks[11], (D, D), jnp.float32, -s, s)
    bf2 = jax.random.uniform(ks[12], (D,), jnp.float32, -s, s)
    return {"h": h, "e": e, "edge_index": edge_index, "Wn": Wn, "bn_": bn_,
            "We1": We1, "be1": be1, "We2": We2, "be2": be2,
            "Wf1": Wf1, "bf1": bf1, "Wf2": Wf2, "bf2": bf2}


def reference(h, e, edge_index, Wn, bn_, We1, be1, We2, be2, Wf1, bf1, Wf2, bf2):
    h_in = h
    hp = h @ Wn.T + bn_
    e1 = _ssp(e @ We1.T + be1)
    e2 = _ssp(e1 @ We2.T + be2)
    src = edge_index[0]
    dst = edge_index[1]
    # u_mul_e: source node feature times edge filter
    m = hp[src] * e2
    # sum aggregation at destination nodes (scatter-add)
    agg = jax.ops.segment_sum(m, dst, num_segments=N)
    out = _ssp(agg @ Wf1.T + bf1)
    out = out @ Wf2.T + bf2
    # residual=True, batch_norm=False, dropout=0.0
    out = h_in + out
    return out

if __name__ == "__main__":
    import jax
    _d = setup_inputs()
    print(jax.jit(kernel)(*tuple(_d.values())))

</pallas_src>

<mosaic_0001>
#map = affine_map<(d0, d1) -> (0, 0)>
#map1 = affine_map<(d0, d1) -> (0, 0, 0, 0)>
#map2 = affine_map<(d0, d1) -> (0, 0, 0)>
module attributes {stable_mosaic.version = 14 : i64} {
  func.func @_sc_body(%arg0: i32, %arg1: i32, %arg2: memref<10000x128xf32, #tpu.memory_space<hbm>>, %arg3: memref<320000x128xf32, #tpu.memory_space<hbm>>, %arg4: memref<32x5x25x80xi32, #tpu.memory_space<hbm>>, %arg5: memref<32x5x25x80xi32, #tpu.memory_space<hbm>>, %arg6: memref<624x128xf32, #tpu.memory_space<hbm>>, %arg7: memref<2x10000x128xf32, #tpu.memory_space<hbm>>, %arg8: memref<10000x128xf32, #tpu.memory_space<vmem_shared>>, %arg9: memref<25x80xi32, #tpu.memory_space<vmem>>, %arg10: memref<25x80xi32, #tpu.memory_space<vmem>>, %arg11: memref<80x128xf32, #tpu.memory_space<vmem>>, %arg12: memref<80x128xf32, #tpu.memory_space<vmem>>, %arg13: memref<!tpu.dma_semaphore, #tpu.memory_space<semaphore_mem>>) attributes {dimension_semantics = [#tpu.dimension_semantics<core_parallel>, #tpu.dimension_semantics<subcore_parallel>], iteration_bounds = array<i64: 2, 16>, scalar_prefetch = 0 : i64, scratch_operands = 6 : i64, tpu.core_type = #tpu.core_type<sc_vector_subcore>, window_params = [{transform_indices = #map}, {transform_indices = #map}, {transform_indices = #map1}, {transform_indices = #map1}, {transform_indices = #map}, {transform_indices = #map2}]} {
    %mul3A = arith.constant 16 : i32
    %mul3A_0 = arith.muli %arg0, %mul3A : i32
    %add3A = arith.addi %mul3A_0, %arg1 : i32
    %mul3A_1 = arith.constant 10000 : i32
    %mul3A_2 = arith.muli %add3A, %mul3A_1 : i32
    %mul3A_3 = arith.constant 624 : i32
    %mul3A_4 = arith.muli %arg1, %mul3A_3 : i32
    "tpu.region"() ({
      %run_scoped3A = tpu.sem_alloc : memref<!tpu.dma_semaphore, #tpu.memory_space<semaphore_mem>>
      %dma_start3A = arith.constant 0 : i32
      %dma_start3A_22 = tpu.memref_slice %arg8[%mul3A_4, %dma_start3A] : memref<10000x128xf32, #tpu.memory_space<vmem_shared>> -> memref<624x128xf32, #tpu.memory_space<vmem_shared>>
      %dma_start3A_23 = arith.constant 0 : i32
      %dma_start3A_24 = arith.constant 0 : i32
      %dma_start3A_25 = tpu.memref_slice %arg6[%dma_start3A_23, %dma_start3A_24] : memref<624x128xf32, #tpu.memory_space<hbm>> -> memref<624x128xf32, #tpu.memory_space<hbm>>
      tpu.enqueue_dma source(%dma_start3A_25 : memref<624x128xf32, #tpu.memory_space<hbm>>) target(%dma_start3A_22 : memref<624x128xf32, #tpu.memory_space<vmem_shared>>) target_semaphore(%run_scoped3A : memref<!tpu.dma_semaphore, #tpu.memory_space<semaphore_mem>>)
      %dma_wait3A = arith.constant 0 : i32
      %dma_wait3A_26 = tpu.memref_slice %arg8[%mul3A_4, %dma_wait3A] : memref<10000x128xf32, #tpu.memory_space<vmem_shared>> -> memref<624x128xf32, #tpu.memory_space<vmem_shared>>
      %dma_wait3A_27 = arith.constant 0 : i32
      %dma_wait3A_28 = arith.constant 0 : i32
      %dma_wait3A_29 = tpu.memref_slice %arg6[%dma_wait3A_27, %dma_wait3A_28] : memref<624x128xf32, #tpu.memory_space<hbm>> -> memref<624x128xf32, #tpu.memory_space<hbm>>
      tpu.wait_dma2 semaphore(%run_scoped3A : memref<!tpu.dma_semaphore, #tpu.memory_space<semaphore_mem>>) src(%dma_wait3A_29 : memref<624x128xf32, #tpu.memory_space<hbm>>) dst(%dma_wait3A_26 : memref<624x128xf32, #tpu.memory_space<vmem_shared>>)
      tpu.yield
    }) : () -> ()
    %eq3A = arith.constant 0 : i32
    %eq3A_5 = arith.cmpi eq, %arg1, %eq3A : i32
    %convert_element_type3A = arith.extui %eq3A_5 : i1 to i32
    %cond3A = arith.constant 0 : i32
    %cond3A_6 = arith.cmpi ne, %convert_element_type3A, %cond3A : i32
    scf.if %cond3A_6 {
      "tpu.region"() ({
        %run_scoped3A = tpu.sem_alloc : memref<!tpu.dma_semaphore, #tpu.memory_space<semaphore_mem>>
        %dma_start3A = arith.constant 9984 : i32
        %dma_start3A_22 = arith.constant 0 : i32
        %dma_start3A_23 = tpu.memref_slice %arg8[%dma_start3A, %dma_start3A_22] : memref<10000x128xf32, #tpu.memory_space<vmem_shared>> -> memref<16x128xf32, #tpu.memory_space<vmem_shared>>
        %dma_start3A_24 = arith.constant 0 : i32
        %dma_start3A_25 = arith.constant 0 : i32
        %dma_start3A_26 = tpu.memref_slice %arg6[%dma_start3A_24, %dma_start3A_25] : memref<624x128xf32, #tpu.memory_space<hbm>> -> memref<16x128xf32, #tpu.memory_space<hbm>>
        tpu.enqueue_dma source(%dma_start3A_26 : memref<16x128xf32, #tpu.memory_space<hbm>>) target(%dma_start3A_23 : memref<16x128xf32, #tpu.memory_space<vmem_shared>>) target_semaphore(%run_scoped3A : memref<!tpu.dma_semaphore, #tpu.memory_space<semaphore_mem>>)
        %dma_wait3A = arith.constant 9984 : i32
        %dma_wait3A_27 = arith.constant 0 : i32
        %dma_wait3A_28 = tpu.memref_slice %arg8[%dma_wait3A, %dma_wait3A_27] : memref<10000x128xf32, #tpu.memory_space<vmem_shared>> -> memref<16x128xf32, #tpu.memory_space<vmem_shared>>
        %dma_wait3A_29 = arith.constant 0 : i32
        %dma_wait3A_30 = arith.constant 0 : i32
        %dma_wait3A_31 = tpu.memref_slice %arg6[%dma_wait3A_29, %dma_wait3A_30] : memref<624x128xf32, #tpu.memory_space<hbm>> -> memref<16x128xf32, #tpu.memory_space<hbm>>
        tpu.wait_dma2 semaphore(%run_scoped3A : memref<!tpu.dma_semaphore, #tpu.memory_space<semaphore_mem>>) src(%dma_wait3A_31 : memref<16x128xf32, #tpu.memory_space<hbm>>) dst(%dma_wait3A_28 : memref<16x128xf32, #tpu.memory_space<vmem_shared>>)
        tpu.yield
      }) : () -> ()
    } else {
    }
    %barrier3A = arith.constant 0 : index
    tpu.barrier barrier_id(%barrier3A)
    %scan3A = arith.constant 0 : i32
    %scan3A_7 = arith.constant 0 : i32
    %scan3A_8 = arith.constant 5 : i32
    %scan3A_9 = arith.addi %scan3A_7, %scan3A_8 : i32
    %scan3A_10 = arith.constant 1 : i32
    scf.for %scan3A_22 = %scan3A_7 to %scan3A_9 step %scan3A_10  : i32 {
      "tpu.region"() ({
        %run_scoped3A = tpu.sem_alloc : memref<!tpu.dma_semaphore, #tpu.memory_space<semaphore_mem>>
        %dma_start3A = arith.constant 0 : i32
        %dma_start3A_29 = arith.constant 0 : i32
        %dma_start3A_30 = tpu.memref_slice %arg4[%add3A, %scan3A_22, %dma_start3A, %dma_start3A_29] : memref<32x5x25x80xi32, #tpu.memory_space<hbm>> -> memref<1x1x25x80xi32, #tpu.memory_space<hbm>>
        %dma_start3A_31 = tpu.memref_squeeze %dma_start3A_30 : memref<1x1x25x80xi32, #tpu.memory_space<hbm>> -> memref<25x80xi32, #tpu.memory_space<hbm>>
        %dma_start3A_32 = arith.constant 0 : i32
        %dma_start3A_33 = arith.constant 0 : i32
        %dma_start3A_34 = tpu.memref_slice %arg4[%add3A, %scan3A_22, %dma_start3A_32, %dma_start3A_33] : memref<32x5x25x80xi32, #tpu.memory_space<hbm>> -> memref<1x1x25x80xi32, #tpu.memory_space<hbm>>
        %dma_start3A_35 = tpu.memref_squeeze %dma_start3A_34 : memref<1x1x25x80xi32, #tpu.memory_space<hbm>> -> memref<25x80xi32, #tpu.memory_space<hbm>>
        tpu.enqueue_dma source(%dma_start3A_35 : memref<25x80xi32, #tpu.memory_space<hbm>>) target(%arg9 : memref<25x80xi32, #tpu.memory_space<vmem>>) target_semaphore(%run_scoped3A : memref<!tpu.dma_semaphore, #tpu.memory_space<semaphore_mem>>)
        %dma_wait3A = arith.constant 0 : i32
        %dma_wait3A_36 = arith.constant 0 : i32
        %dma_wait3A_37 = tpu.memref_slice %arg4[%add3A, %scan3A_22, %dma_wait3A, %dma_wait3A_36] : memref<32x5x25x80xi32, #tpu.memory_space<hbm>> -> memref<1x1x25x80xi32, #tpu.memory_space<hbm>>
        %dma_wait3A_38 = tpu.memref_squeeze %dma_wait3A_37 : memref<1x1x25x80xi32, #tpu.memory_space<hbm>> -> memref<25x80xi32, #tpu.memory_space<hbm>>
        %dma_wait3A_39 = arith.constant 0 : i32
        %dma_wait3A_40 = arith.constant 0 : i32
        %dma_wait3A_41 = tpu.memref_slice %arg4[%add3A, %scan3A_22, %dma_wait3A_39, %dma_wait3A_40] : memref<32x5x25x80xi32, #tpu.memory_space<hbm>> -> memref<1x1x25x80xi32, #tpu.memory_space<hbm>>
        %dma_wait3A_42 = tpu.memref_squeeze %dma_wait3A_41 : memref<1x1x25x80xi32, #tpu.memory_space<hbm>> -> memref<25x80xi32, #tpu.memory_space<hbm>>
        tpu.wait_dma2 semaphore(%run_scoped3A : memref<!tpu.dma_semaphore, #tpu.memory_space<semaphore_mem>>) src(%dma_wait3A_42 : memref<25x80xi32, #tpu.memory_space<hbm>>) dst(%arg9 : memref<25x80xi32, #tpu.memory_space<vmem>>)
        tpu.yield
      }) : () -> ()
      "tpu.region"() ({
        %run_scoped3A = tpu.sem_alloc : memref<!tpu.dma_semaphore, #tpu.memory_space<semaphore_mem>>
        %dma_start3A = arith.constant 0 : i32
        %dma_start3A_29 = arith.constant 0 : i32
        %dma_start3A_30 = tpu.memref_slice %arg5[%add3A, %scan3A_22, %dma_start3A, %dma_start3A_29] : memref<32x5x25x80xi32, #tpu.memory_space<hbm>> -> memref<1x1x25x80xi32, #tpu.memory_space<hbm>>
        %dma_start3A_31 = tpu.memref_squeeze %dma_start3A_30 : memref<1x1x25x80xi32, #tpu.memory_space<hbm>> -> memref<25x80xi32, #tpu.memory_space<hbm>>
        %dma_start3A_32 = arith.constant 0 : i32
        %dma_start3A_33 = arith.constant 0 : i32
        %dma_start3A_34 = tpu.memref_slice %arg5[%add3A, %scan3A_22, %dma_start3A_32, %dma_start3A_33] : memref<32x5x25x80xi32, #tpu.memory_space<hbm>> -> memref<1x1x25x80xi32, #tpu.memory_space<hbm>>
        %dma_start3A_35 = tpu.memref_squeeze %dma_start3A_34 : memref<1x1x25x80xi32, #tpu.memory_space<hbm>> -> memref<25x80xi32, #tpu.memory_space<hbm>>
        tpu.enqueue_dma source(%dma_start3A_35 : memref<25x80xi32, #tpu.memory_space<hbm>>) target(%arg10 : memref<25x80xi32, #tpu.memory_space<vmem>>) target_semaphore(%run_scoped3A : memref<!tpu.dma_semaphore, #tpu.memory_space<semaphore_mem>>)
        %dma_wait3A = arith.constant 0 : i32
        %dma_wait3A_36 = arith.constant 0 : i32
        %dma_wait3A_37 = tpu.memref_slice %arg5[%add3A, %scan3A_22, %dma_wait3A, %dma_wait3A_36] : memref<32x5x25x80xi32, #tpu.memory_space<hbm>> -> memref<1x1x25x80xi32, #tpu.memory_space<hbm>>
        %dma_wait3A_38 = tpu.memref_squeeze %dma_wait3A_37 : memref<1x1x25x80xi32, #tpu.memory_space<hbm>> -> memref<25x80xi32, #tpu.memory_space<hbm>>
        %dma_wait3A_39 = arith.constant 0 : i32
        %dma_wait3A_40 = arith.constant 0 : i32
        %dma_wait3A_41 = tpu.memref_slice %arg5[%add3A, %scan3A_22, %dma_wait3A_39, %dma_wait3A_40] : memref<32x5x25x80xi32, #tpu.memory_space<hbm>> -> memref<1x1x25x80xi32, #tpu.memory_space<hbm>>
        %dma_wait3A_42 = tpu.memref_squeeze %dma_wait3A_41 : memref<1x1x25x80xi32, #tpu.memory_space<hbm>> -> memref<25x80xi32, #tpu.memory_space<hbm>>
        tpu.wait_dma2 semaphore(%run_scoped3A : memref<!tpu.dma_semaphore, #tpu.memory_space<semaphore_mem>>) src(%dma_wait3A_42 : memref<25x80xi32, #tpu.memory_space<hbm>>) dst(%arg10 : memref<25x80xi32, #tpu.memory_space<vmem>>)
        tpu.yield
      }) : () -> ()
      %scan3A_23 = arith.constant 0 : i32
      %scan3A_24 = arith.constant 0 : i32
      %scan3A_25 = arith.constant 25 : i32
      %scan3A_26 = arith.addi %scan3A_24, %scan3A_25 : i32
      %scan3A_27 = arith.constant 1 : i32
      scf.for %scan3A_29 = %scan3A_24 to %scan3A_26 step %scan3A_27  : i32 {
        %dma_start3A = arith.constant 0 : i32
        %dma_start3A_30 = tpu.memref_slice %arg9[%scan3A_29, %dma_start3A] : memref<25x80xi32, #tpu.memory_space<vmem>> -> memref<1x80xi32, #tpu.memory_space<vmem>>
        %dma_start3A_31 = tpu.memref_squeeze %dma_start3A_30 : memref<1x80xi32, #tpu.memory_space<vmem>> -> memref<80xi32, #tpu.memory_space<vmem>>
        %dma_start3A_32 = arith.constant 0 : i32
        %dma_start3A_33 = arith.constant 0 : i32
        %dma_start3A_34 = tpu.memref_slice %arg2[%dma_start3A_32, %dma_start3A_33] : memref<10000x128xf32, #tpu.memory_space<hbm>> -> memref<10000x128xf32, #tpu.memory_space<hbm>>
        tpu.enqueue_indirect_dma source(%dma_start3A_34 : memref<10000x128xf32, #tpu.memory_space<hbm>>) target(%arg11 : memref<80x128xf32, #tpu.memory_space<vmem>>) offsets(%dma_start3A_31 : memref<80xi32, #tpu.memory_space<vmem>>) semaphore(%arg13 : memref<!tpu.dma_semaphore, #tpu.memory_space<semaphore_mem>>)
        %dma_wait3A = arith.constant 0 : i32
        %dma_wait3A_35 = tpu.memref_slice %arg9[%scan3A_29, %dma_wait3A] : memref<25x80xi32, #tpu.memory_space<vmem>> -> memref<1x80xi32, #tpu.memory_space<vmem>>
        %dma_wait3A_36 = tpu.memref_squeeze %dma_wait3A_35 : memref<1x80xi32, #tpu.memory_space<vmem>> -> memref<80xi32, #tpu.memory_space<vmem>>
        %dma_wait3A_37 = arith.constant 0 : i32
        %dma_wait3A_38 = arith.constant 0 : i32
        %dma_wait3A_39 = tpu.memref_slice %arg2[%dma_wait3A_37, %dma_wait3A_38] : memref<10000x128xf32, #tpu.memory_space<hbm>> -> memref<10000x128xf32, #tpu.memory_space<hbm>>
        tpu.wait_indirect_dma semaphore(%arg13 : memref<!tpu.dma_semaphore, #tpu.memory_space<semaphore_mem>>) src(%dma_wait3A_39 : memref<10000x128xf32, #tpu.memory_space<hbm>>) dst(%arg11 : memref<80x128xf32, #tpu.memory_space<vmem>>)
        %mul3A_40 = arith.constant 25 : i32
        %mul3A_41 = arith.muli %scan3A_22, %mul3A_40 : i32
        %add3A_42 = arith.addi %mul3A_41, %scan3A_29 : i32
        %mul3A_43 = arith.constant 80 : i32
        %mul3A_44 = arith.muli %add3A_42, %mul3A_43 : i32
        %add3A_45 = arith.addi %mul3A_2, %mul3A_44 : i32
        "tpu.region"() ({
          %run_scoped3A = tpu.sem_alloc : memref<!tpu.dma_semaphore, #tpu.memory_space<semaphore_mem>>
          %dma_start3A_52 = arith.constant 0 : i32
          %dma_start3A_53 = tpu.memref_slice %arg3[%add3A_45, %dma_start3A_52] : memref<320000x128xf32, #tpu.memory_space<hbm>> -> memref<80x128xf32, #tpu.memory_space<hbm>>
          %dma_start3A_54 = arith.constant 0 : i32
          %dma_start3A_55 = tpu.memref_slice %arg3[%add3A_45, %dma_start3A_54] : memref<320000x128xf32, #tpu.memory_space<hbm>> -> memref<80x128xf32, #tpu.memory_space<hbm>>
          tpu.enqueue_dma source(%dma_start3A_55 : memref<80x128xf32, #tpu.memory_space<hbm>>) target(%arg12 : memref<80x128xf32, #tpu.memory_space<vmem>>) target_semaphore(%run_scoped3A : memref<!tpu.dma_semaphore, #tpu.memory_space<semaphore_mem>>)
          %dma_wait3A_56 = arith.constant 0 : i32
          %dma_wait3A_57 = tpu.memref_slice %arg3[%add3A_45, %dma_wait3A_56] : memref<320000x128xf32, #tpu.memory_space<hbm>> -> memref<80x128xf32, #tpu.memory_space<hbm>>
          %dma_wait3A_58 = arith.constant 0 : i32
          %dma_wait3A_59 = tpu.memref_slice %arg3[%add3A_45, %dma_wait3A_58] : memref<320000x128xf32, #tpu.memory_space<hbm>> -> memref<80x128xf32, #tpu.memory_space<hbm>>
          tpu.wait_dma2 semaphore(%run_scoped3A : memref<!tpu.dma_semaphore, #tpu.memory_space<semaphore_mem>>) src(%dma_wait3A_59 : memref<80x128xf32, #tpu.memory_space<hbm>>) dst(%arg12 : memref<80x128xf32, #tpu.memory_space<vmem>>)
          tpu.yield
        }) : () -> ()
        %scan3A_46 = arith.constant 0 : i32
        %scan3A_47 = arith.constant 0 : i32
        %scan3A_48 = arith.constant 80 : i32
        %scan3A_49 = arith.addi %scan3A_47, %scan3A_48 : i32
        %scan3A_50 = arith.constant 1 : i32
        scf.for %scan3A_52 = %scan3A_47 to %scan3A_49 step %scan3A_50  : i32 {
          %get3A = arith.index_cast %scan3A_52 : i32 to index
          %get3A_53 = arith.constant 0 : index
          %get3A_54 = tpu.vector_load %arg11[%get3A, %get3A_53] {strides = array<i32>} : memref<80x128xf32, #tpu.memory_space<vmem>>, vector<1x16xf32>,
          %get3A_55 = vector.shape_cast %get3A_54 : vector<1x16xf32> to vector<16xf32>
          %get3A_56 = arith.index_cast %scan3A_52 : i32 to index
          %get3A_57 = arith.constant 0 : index
          %get3A_58 = tpu.vector_load %arg12[%get3A_56, %get3A_57] {strides = array<i32>} : memref<80x128xf32, #tpu.memory_space<vmem>>, vector<1x16xf32>,
          %get3A_59 = vector.shape_cast %get3A_58 : vector<1x16xf32> to vector<16xf32>
          %mul3A_60 = arith.mulf %get3A_55, %get3A_59 : vector<16xf32>
          %swap3A = arith.index_cast %scan3A_52 : i32 to index
          %swap3A_61 = arith.constant 0 : index
          %swap3A_62 = tpu.vector_load %arg11[%swap3A, %swap3A_61] {strides = array<i32>} : memref<80x128xf32, #tpu.memory_space<vmem>>, vector<1x16xf32>,
          %swap3A_63 = vector.shape_cast %swap3A_62 : vector<1x16xf32> to vector<16xf32>
          %swap3A_64 = vector.shape_cast %mul3A_60 : vector<16xf32> to vector<1x16xf32>
          tpu.vector_store %arg11[%swap3A, %swap3A_61], %swap3A_64 {strides = array<i32>} : memref<80x128xf32, #tpu.memory_space<vmem>>, vector<1x16xf32>,
          %get3A_65 = arith.index_cast %scan3A_52 : i32 to index
          %get3A_66 = arith.constant 16 : index
          %get3A_67 = tpu.vector_load %arg11[%get3A_65, %get3A_66] {strides = array<i32>} : memref<80x128xf32, #tpu.memory_space<vmem>>, vector<1x16xf32>,
          %get3A_68 = vector.shape_cast %get3A_67 : vector<1x16xf32> to vector<16xf32>
          %get3A_69 = arith.index_cast %scan3A_52 : i32 to index
          %get3A_70 = arith.constant 16 : index
          %get3A_71 = tpu.vector_load %arg12[%get3A_69, %get3A_70] {strides = array<i32>} : memref<80x128xf32, #tpu.memory_space<vmem>>, vector<1x16xf32>,
          %get3A_72 = vector.shape_cast %get3A_71 : vector<1x16xf32> to vector<16xf32>
          %mul3A_73 = arith.mulf %get3A_68, %get3A_72 : vector<16xf32>
          %swap3A_74 = arith.index_cast %scan3A_52 : i32 to index
          %swap3A_75 = arith.constant 16 : index
          %swap3A_76 = tpu.vector_load %arg11[%swap3A_74, %swap3A_75] {strides = array<i32>} : memref<80x128xf32, #tpu.memory_space<vmem>>, vector<1x16xf32>,
          %swap3A_77 = vector.shape_cast %swap3A_76 : vector<1x16xf32> to vector<16xf32>
          %swap3A_78 = vector.shape_cast %mul3A_73 : vector<16xf32> to vector<1x16xf32>
          tpu.vector_store %arg11[%swap3A_74, %swap3A_75], %swap3A_78 {strides = array<i32>} : memref<80x128xf32, #tpu.memory_space<vmem>>, vector<1x16xf32>,
          %get3A_79 = arith.index_cast %scan3A_52 : i32 to index
          %get3A_80 = arith.constant 32 : index
          %get3A_81 = tpu.vector_load %arg11[%get3A_79, %get3A_80] {strides = array<i32>} : memref<80x128xf32, #tpu.memory_space<vmem>>, vector<1x16xf32>,
          %get3A_82 = vector.shape_cast %get3A_81 : vector<1x16xf32> to vector<16xf32>
          %get3A_83 = arith.index_cast %scan3A_52 : i32 to index
          %get3A_84 = arith.constant 32 : index
          %get3A_85 = tpu.vector_load %arg12[%get3A_83, %get3A_84] {strides = array<i32>} : memref<80x128xf32, #tpu.memory_space<vmem>>, vector<1x16xf32>,
          %get3A_86 = vector.shape_cast %get3A_85 : vector<1x16xf32> to vector<16xf32>
          %mul3A_87 = arith.mulf %get3A_82, %get3A_86 : vector<16xf32>
          %swap3A_88 = arith.index_cast %scan3A_52 : i32 to index
          %swap3A_89 = arith.constant 32 : index
          %swap3A_90 = tpu.vector_load %arg11[%swap3A_88, %swap3A_89] {strides = array<i32>} : memref<80x128xf32, #tpu.memory_space<vmem>>, vector<1x16xf32>,
          %swap3A_91 = vector.shape_cast %swap3A_90 : vector<1x16xf32> to vector<16xf32>
          %swap3A_92 = vector.shape_cast %mul3A_87 : vector<16xf32> to vector<1x16xf32>
          tpu.vector_store %arg11[%swap3A_88, %swap3A_89], %swap3A_92 {strides = array<i32>} : memref<80x128xf32, #tpu.memory_space<vmem>>, vector<1x16xf32>,
          %get3A_93 = arith.index_cast %scan3A_52 : i32 to index
          %get3A_94 = arith.constant 48 : index
          %get3A_95 = tpu.vector_load %arg11[%get3A_93, %get3A_94] {strides = array<i32>} : memref<80x128xf32, #tpu.memory_space<vmem>>, vector<1x16xf32>,
          %get3A_96 = vector.shape_cast %get3A_95 : vector<1x16xf32> to vector<16xf32>
          %get3A_97 = arith.index_cast %scan3A_52 : i32 to index
          %get3A_98 = arith.constant 48 : index
          %get3A_99 = tpu.vector_load %arg12[%get3A_97, %get3A_98] {strides = array<i32>} : memref<80x128xf32, #tpu.memory_space<vmem>>, vector<1x16xf32>,
          %get3A_100 = vector.shape_cast %get3A_99 : vector<1x16xf32> to vector<16xf32>
          %mul3A_101 = arith.mulf %get3A_96, %get3A_100 : vector<16xf32>
          %swap3A_102 = arith.index_cast %scan3A_52 : i32 to index
          %swap3A_103 = arith.constant 48 : index
          %swap3A_104 = tpu.vector_load %arg11[%swap3A_102, %swap3A_103] {strides = array<i32>} : memref<80x128xf32, #tpu.memory_space<vmem>>, vector<1x16xf32>,
          %swap3A_105 = vector.shape_cast %swap3A_104 : vector<1x16xf32> to vector<16xf32>
          %swap3A_106 = vector.shape_cast %mul3A_101 : vector<16xf32> to vector<1x16xf32>
          tpu.vector_store %arg11[%swap3A_102, %swap3A_103], %swap3A_106 {strides = array<i32>} : memref<80x128xf32, #tpu.memory_space<vmem>>, vector<1x16xf32>,
          %get3A_107 = arith.index_cast %scan3A_52 : i32 to index
          %get3A_108 = arith.constant 64 : index
          %get3A_109 = tpu.vector_load %arg11[%get3A_107, %get3A_108] {strides = array<i32>} : memref<80x128xf32, #tpu.memory_space<vmem>>, vector<1x16xf32>,
          %get3A_110 = vector.shape_cast %get3A_109 : vector<1x16xf32> to vector<16xf32>
          %get3A_111 = arith.index_cast %scan3A_52 : i32 to index
          %get3A_112 = arith.constant 64 : index
          %get3A_113 = tpu.vector_load %arg12[%get3A_111, %get3A_112] {strides = array<i32>} : memref<80x128xf32, #tpu.memory_space<vmem>>, vector<1x16xf32>,
          %get3A_114 = vector.shape_cast %get3A_113 : vector<1x16xf32> to vector<16xf32>
          %mul3A_115 = arith.mulf %get3A_110, %get3A_114 : vector<16xf32>
          %swap3A_116 = arith.index_cast %scan3A_52 : i32 to index
          %swap3A_117 = arith.constant 64 : index
          %swap3A_118 = tpu.vector_load %arg11[%swap3A_116, %swap3A_117] {strides = array<i32>} : memref<80x128xf32, #tpu.memory_space<vmem>>, vector<1x16xf32>,
          %swap3A_119 = vector.shape_cast %swap3A_118 : vector<1x16xf32> to vector<16xf32>
          %swap3A_120 = vector.shape_cast %mul3A_115 : vector<16xf32> to vector<1x16xf32>
          tpu.vector_store %arg11[%swap3A_116, %swap3A_117], %swap3A_120 {strides = array<i32>} : memref<80x128xf32, #tpu.memory_space<vmem>>, vector<1x16xf32>,
          %get3A_121 = arith.index_cast %scan3A_52 : i32 to index
          %get3A_122 = arith.constant 80 : index
          %get3A_123 = tpu.vector_load %arg11[%get3A_121, %get3A_122] {strides = array<i32>} : memref<80x128xf32, #tpu.memory_space<vmem>>, vector<1x16xf32>,
          %get3A_124 = vector.shape_cast %get3A_123 : vector<1x16xf32> to vector<16xf32>
          %get3A_125 = arith.index_cast %scan3A_52 : i32 to index
          %get3A_126 = arith.constant 80 : index
          %get3A_127 = tpu.vector_load %arg12[%get3A_125, %get3A_126] {strides = array<i32>} : memref<80x128xf32, #tpu.memory_space<vmem>>, vector<1x16xf32>,
          %get3A_128 = vector.shape_cast %get3A_127 : vector<1x16xf32> to vector<16xf32>
          %mul3A_129 = arith.mulf %get3A_124, %get3A_128 : vector<16xf32>
          %swap3A_130 = arith.index_cast %scan3A_52 : i32 to index
          %swap3A_131 = arith.constant 80 : index
          %swap3A_132 = tpu.vector_load %arg11[%swap3A_130, %swap3A_131] {strides = array<i32>} : memref<80x128xf32, #tpu.memory_space<vmem>>, vector<1x16xf32>,
          %swap3A_133 = vector.shape_cast %swap3A_132 : vector<1x16xf32> to vector<16xf32>
          %swap3A_134 = vector.shape_cast %mul3A_129 : vector<16xf32> to vector<1x16xf32>
          tpu.vector_store %arg11[%swap3A_130, %swap3A_131], %swap3A_134 {strides = array<i32>} : memref<80x128xf32, #tpu.memory_space<vmem>>, vector<1x16xf32>,
          %get3A_135 = arith.index_cast %scan3A_52 : i32 to index
          %get3A_136 = arith.constant 96 : index
          %get3A_137 = tpu.vector_load %arg11[%get3A_135, %get3A_136] {strides = array<i32>} : memref<80x128xf32, #tpu.memory_space<vmem>>, vector<1x16xf32>,
          %get3A_138 = vector.shape_cast %get3A_137 : vector<1x16xf32> to vector<16xf32>
          %get3A_139 = arith.index_cast %scan3A_52 : i32 to index
          %get3A_140 = arith.constant 96 : index
          %get3A_141 = tpu.vector_load %arg12[%get3A_139, %get3A_140] {strides = array<i32>} : memref<80x128xf32, #tpu.memory_space<vmem>>, vector<1x16xf32>,
          %get3A_142 = vector.shape_cast %get3A_141 : vector<1x16xf32> to vector<16xf32>
          %mul3A_143 = arith.mulf %get3A_138, %get3A_142 : vector<16xf32>
          %swap3A_144 = arith.index_cast %scan3A_52 : i32 to index
          %swap3A_145 = arith.constant 96 : index
          %swap3A_146 = tpu.vector_load %arg11[%swap3A_144, %swap3A_145] {strides = array<i32>} : memref<80x128xf32, #tpu.memory_space<vmem>>, vector<1x16xf32>,
          %swap3A_147 = vector.shape_cast %swap3A_146 : vector<1x16xf32> to vector<16xf32>
          %swap3A_148 = vector.shape_cast %mul3A_143 : vector<16xf32> to vector<1x16xf32>
          tpu.vector_store %arg11[%swap3A_144, %swap3A_145], %swap3A_148 {strides = array<i32>} : memref<80x128xf32, #tpu.memory_space<vmem>>, vector<1x16xf32>,
          %get3A_149 = arith.index_cast %scan3A_52 : i32 to index
          %get3A_150 = arith.constant 112 : index
          %get3A_151 = tpu.vector_load %arg11[%get3A_149, %get3A_150] {strides = array<i32>} : memref<80x128xf32, #tpu.memory_space<vmem>>, vector<1x16xf32>,
          %get3A_152 = vector.shape_cast %get3A_151 : vector<1x16xf32> to vector<16xf32>
          %get3A_153 = arith.index_cast %scan3A_52 : i32 to index
          %get3A_154 = arith.constant 112 : index
          %get3A_155 = tpu.vector_load %arg12[%get3A_153, %get3A_154] {strides = array<i32>} : memref<80x128xf32, #tpu.memory_space<vmem>>, vector<1x16xf32>,
          %get3A_156 = vector.shape_cast %get3A_155 : vector<1x16xf32> to vector<16xf32>
          %mul3A_157 = arith.mulf %get3A_152, %get3A_156 : vector<16xf32>
          %swap3A_158 = arith.index_cast %scan3A_52 : i32 to index
          %swap3A_159 = arith.constant 112 : index
          %swap3A_160 = tpu.vector_load %arg11[%swap3A_158, %swap3A_159] {strides = array<i32>} : memref<80x128xf32, #tpu.memory_space<vmem>>, vector<1x16xf32>,
          %swap3A_161 = vector.shape_cast %swap3A_160 : vector<1x16xf32> to vector<16xf32>
          %swap3A_162 = vector.shape_cast %mul3A_157 : vector<16xf32> to vector<1x16xf32>
          tpu.vector_store %arg11[%swap3A_158, %swap3A_159], %swap3A_162 {strides = array<i32>} : memref<80x128xf32, #tpu.memory_space<vmem>>, vector<1x16xf32>,
        }
        %scan3A_51 = arith.constant 80 : i32
        "tpu.region"() ({
          %run_scoped3A = tpu.sem_alloc : memref<!tpu.dma_semaphore, #tpu.memory_space<semaphore_mem>>
          %dma_start3A_52 = arith.constant 0 : i32
          %dma_start3A_53 = tpu.memref_slice %arg10[%scan3A_29, %dma_start3A_52] : memref<25x80xi32, #tpu.memory_space<vmem>> -> memref<1x80xi32, #tpu.memory_space<vmem>>
          %dma_start3A_54 = tpu.memref_squeeze %dma_start3A_53 : memref<1x80xi32, #tpu.memory_space<vmem>> -> memref<80xi32, #tpu.memory_space<vmem>>
          %dma_start3A_55 = arith.constant 0 : i32
          %dma_start3A_56 = arith.constant 0 : i32
          %dma_start3A_57 = tpu.memref_slice %arg8[%dma_start3A_55, %dma_start3A_56] : memref<10000x128xf32, #tpu.memory_space<vmem_shared>> -> memref<10000x128xf32, #tpu.memory_space<vmem_shared>>
          tpu.enqueue_indirect_dma source(%arg11 : memref<80x128xf32, #tpu.memory_space<vmem>>) target(%dma_start3A_57 : memref<10000x128xf32, #tpu.memory_space<vmem_shared>>) offsets(%dma_start3A_54 : memref<80xi32, #tpu.memory_space<vmem>>) semaphore(%run_scoped3A : memref<!tpu.dma_semaphore, #tpu.memory_space<semaphore_mem>>) {add = true}
          %dma_wait3A_58 = arith.constant 0 : i32
          %dma_wait3A_59 = tpu.memref_slice %arg10[%scan3A_29, %dma_wait3A_58] : memref<25x80xi32, #tpu.memory_space<vmem>> -> memref<1x80xi32, #tpu.memory_space<vmem>>
          %dma_wait3A_60 = tpu.memref_squeeze %dma_wait3A_59 : memref<1x80xi32, #tpu.memory_space<vmem>> -> memref<80xi32, #tpu.memory_space<vmem>>
          %dma_wait3A_61 = arith.constant 0 : i32
          %dma_wait3A_62 = arith.constant 0 : i32
          %dma_wait3A_63 = tpu.memref_slice %arg8[%dma_wait3A_61, %dma_wait3A_62] : memref<10000x128xf32, #tpu.memory_space<vmem_shared>> -> memref<10000x128xf32, #tpu.memory_space<vmem_shared>>
          tpu.wait_indirect_dma semaphore(%run_scoped3A : memref<!tpu.dma_semaphore, #tpu.memory_space<semaphore_mem>>) src(%arg11 : memref<80x128xf32, #tpu.memory_space<vmem>>) dst(%dma_wait3A_63 : memref<10000x128xf32, #tpu.memory_space<vmem_shared>>)
          tpu.yield
        }) : () -> ()
      }
      %scan3A_28 = arith.constant 25 : i32
    }
    %scan3A_11 = arith.constant 5 : i32
    %barrier3A_12 = arith.constant 0 : index
    tpu.barrier barrier_id(%barrier3A_12)
    %mul3A_13 = arith.constant 624 : i32
    %mul3A_14 = arith.muli %arg1, %mul3A_13 : i32
    %mul3A_15 = arith.constant 624 : i32
    %mul3A_16 = arith.muli %arg1, %mul3A_15 : i32
    "tpu.region"() ({
      %run_scoped3A = tpu.sem_alloc : memref<!tpu.dma_semaphore, #tpu.memory_space<semaphore_mem>>
      %dma_start3A = arith.constant 0 : i32
      %dma_start3A_22 = tpu.memref_slice %arg7[%arg0, %mul3A_16, %dma_start3A] : memref<2x10000x128xf32, #tpu.memory_space<hbm>> -> memref<1x624x128xf32, #tpu.memory_space<hbm>>
      %dma_start3A_23 = tpu.memref_squeeze %dma_start3A_22 : memref<1x624x128xf32, #tpu.memory_space<hbm>> -> memref<624x128xf32, #tpu.memory_space<hbm>>
      %dma_start3A_24 = arith.constant 0 : i32
      %dma_start3A_25 = tpu.memref_slice %arg8[%mul3A_14, %dma_start3A_24] : memref<10000x128xf32, #tpu.memory_space<vmem_shared>> -> memref<624x128xf32, #tpu.memory_space<vmem_shared>>
      tpu.enqueue_dma source(%dma_start3A_25 : memref<624x128xf32, #tpu.memory_space<vmem_shared>>) target(%dma_start3A_23 : memref<624x128xf32, #tpu.memory_space<hbm>>) target_semaphore(%run_scoped3A : memref<!tpu.dma_semaphore, #tpu.memory_space<semaphore_mem>>)
      %dma_wait3A = arith.constant 0 : i32
      %dma_wait3A_26 = tpu.memref_slice %arg7[%arg0, %mul3A_16, %dma_wait3A] : memref<2x10000x128xf32, #tpu.memory_space<hbm>> -> memref<1x624x128xf32, #tpu.memory_space<hbm>>
      %dma_wait3A_27 = tpu.memref_squeeze %dma_wait3A_26 : memref<1x624x128xf32, #tpu.memory_space<hbm>> -> memref<624x128xf32, #tpu.memory_space<hbm>>
      %dma_wait3A_28 = arith.constant 0 : i32
      %dma_wait3A_29 = tpu.memref_slice %arg8[%mul3A_14, %dma_wait3A_28] : memref<10000x128xf32, #tpu.memory_space<vmem_shared>> -> memref<624x128xf32, #tpu.memory_space<vmem_shared>>
      tpu.wait_dma2 semaphore(%run_scoped3A : memref<!tpu.dma_semaphore, #tpu.memory_space<semaphore_mem>>) src(%dma_wait3A_29 : memref<624x128xf32, #tpu.memory_space<vmem_shared>>) dst(%dma_wait3A_27 : memref<624x128xf32, #tpu.memory_space<hbm>>)
      tpu.yield
    }) : () -> ()
    %eq3A_17 = arith.constant 0 : i32
    %eq3A_18 = arith.cmpi eq, %arg1, %eq3A_17 : i32
    %convert_element_type3A_19 = arith.extui %eq3A_18 : i1 to i32
    %cond3A_20 = arith.constant 0 : i32
    %cond3A_21 = arith.cmpi ne, %convert_element_type3A_19, %cond3A_20 : i32
    scf.if %cond3A_21 {
      "tpu.region"() ({
        %run_scoped3A = tpu.sem_alloc : memref<!tpu.dma_semaphore, #tpu.memory_space<semaphore_mem>>
        %dma_start3A = arith.constant 9984 : i32
        %dma_start3A_22 = arith.constant 0 : i32
        %dma_start3A_23 = tpu.memref_slice %arg7[%arg0, %dma_start3A, %dma_start3A_22] : memref<2x10000x128xf32, #tpu.memory_space<hbm>> -> memref<1x16x128xf32, #tpu.memory_space<hbm>>
        %dma_start3A_24 = tpu.memref_squeeze %dma_start3A_23 : memref<1x16x128xf32, #tpu.memory_space<hbm>> -> memref<16x128xf32, #tpu.memory_space<hbm>>
        %dma_start3A_25 = arith.constant 9984 : i32
        %dma_start3A_26 = arith.constant 0 : i32
        %dma_start3A_27 = tpu.memref_slice %arg8[%dma_start3A_25, %dma_start3A_26] : memref<10000x128xf32, #tpu.memory_space<vmem_shared>> -> memref<16x128xf32, #tpu.memory_space<vmem_shared>>
        tpu.enqueue_dma source(%dma_start3A_27 : memref<16x128xf32, #tpu.memory_space<vmem_shared>>) target(%dma_start3A_24 : memref<16x128xf32, #tpu.memory_space<hbm>>) target_semaphore(%run_scoped3A : memref<!tpu.dma_semaphore, #tpu.memory_space<semaphore_mem>>)
        %dma_wait3A = arith.constant 9984 : i32
        %dma_wait3A_28 = arith.constant 0 : i32
        %dma_wait3A_29 = tpu.memref_slice %arg7[%arg0, %dma_wait3A, %dma_wait3A_28] : memref<2x10000x128xf32, #tpu.memory_space<hbm>> -> memref<1x16x128xf32, #tpu.memory_space<hbm>>
        %dma_wait3A_30 = tpu.memref_squeeze %dma_wait3A_29 : memref<1x16x128xf32, #tpu.memory_space<hbm>> -> memref<16x128xf32, #tpu.memory_space<hbm>>
        %dma_wait3A_31 = arith.constant 9984 : i32
        %dma_wait3A_32 = arith.constant 0 : i32
        %dma_wait3A_33 = tpu.memref_slice %arg8[%dma_wait3A_31, %dma_wait3A_32] : memref<10000x128xf32, #tpu.memory_space<vmem_shared>> -> memref<16x128xf32, #tpu.memory_space<vmem_shared>>
        tpu.wait_dma2 semaphore(%run_scoped3A : memref<!tpu.dma_semaphore, #tpu.memory_space<semaphore_mem>>) src(%dma_wait3A_33 : memref<16x128xf32, #tpu.memory_space<vmem_shared>>) dst(%dma_wait3A_30 : memref<16x128xf32, #tpu.memory_space<hbm>>)
        tpu.yield
      }) : () -> ()
    } else {
    }
    return
  }
}

module attributes {stable_mosaic.version = 14 : i64} {
  func.func @_edge_mlp_body(%arg0: i32, %arg1: memref<2000x16xf32, #tpu.memory_space<vmem>>, %arg2: memref<16x128xf32, #tpu.memory_space<vmem>>, %arg3: memref<1x128xf32, #tpu.memory_space<vmem>>, %arg4: memref<128x128xf32, #tpu.memory_space<vmem>>, %arg5: memref<1x128xf32, #tpu.memory_space<vmem>>, %arg6: memref<2000x128xf32, #tpu.memory_space<vmem>>) attributes {dimension_semantics = [#tpu.dimension_semantics<arbitrary>], iteration_bounds = array<i64: 160>, scalar_prefetch = 0 : i64, scratch_operands = 0 : i64, tpu.core_type = #tpu.core_type<tc>, window_params = [{transform_indices = @transform_0, window_bounds = array<i64: 2000, 16>}, {pipeline_mode = #tpu.pipeline_mode<synchronous>, transform_indices = @transform_1, window_bounds = array<i64: 16, 128>}, {pipeline_mode = #tpu.pipeline_mode<synchronous>, transform_indices = @transform_2, window_bounds = array<i64: 1, 128>}, {pipeline_mode = #tpu.pipeline_mode<synchronous>, transform_indices = @transform_3, window_bounds = array<i64: 128, 128>}, {pipeline_mode = #tpu.pipeline_mode<synchronous>, transform_indices = @transform_4, window_bounds = array<i64: 1, 128>}, {transform_indices = @transform_5, window_bounds = array<i64: 2000, 128>}]} {
    %get3A = arith.constant 0 : index
    %get3A_0 = arith.constant 0 : index
    %get3A_1 = vector.load %arg1[%get3A, %get3A_0] : memref<2000x16xf32, #tpu.memory_space<vmem>>, vector<2000x16xf32>
    %get3A_2 = arith.constant 0 : index
    %get3A_3 = arith.constant 0 : index
    %get3A_4 = vector.load %arg2[%get3A_2, %get3A_3] : memref<16x128xf32, #tpu.memory_space<vmem>>, vector<16x128xf32>
    %dot_general3A = arith.constant dense<0.000000e+00> : vector<2000x128xf32>
    %dot_general3A_5 = tpu.matmul %get3A_1, %get3A_4, %dot_general3A {dimension_numbers = #tpu.dot_dimension_numbers<[1], [0], [0], [1], [0, 0, 1, 1], [], []>, transpose_lhs_hint = false} : vector<2000x16xf32>, vector<16x128xf32>, vector<2000x128xf32> -> vector<2000x128xf32>
    %get3A_6 = arith.constant 0 : index
    %get3A_7 = arith.constant 0 : index
    %get3A_8 = vector.load %arg3[%get3A_6, %get3A_7] : memref<1x128xf32, #tpu.memory_space<vmem>>, vector<1x128xf32>
    %add3A = vector.broadcast %get3A_8 : vector<1x128xf32> to vector<2000x128xf32>
    %add3A_9 = arith.addf %dot_general3A_5, %add3A : vector<2000x128xf32>
    %custom_jvp_call3A = arith.constant 0.000000e+00 : f32
    %max3A = vector.broadcast %custom_jvp_call3A : f32 to vector<2000x128xf32>
    %max3A_10 = arith.maximumf %add3A_9, %max3A : vector<2000x128xf32>
    %sub3A = vector.broadcast %custom_jvp_call3A : f32 to vector<2000x128xf32>
    %sub3A_11 = arith.subf %add3A_9, %sub3A : vector<2000x128xf32>
    %ne3A = arith.cmpf one, %sub3A_11, %sub3A_11 : vector<2000x128xf32>
    %add3A_12 = vector.broadcast %custom_jvp_call3A : f32 to vector<2000x128xf32>
    %add3A_13 = arith.addf %add3A_9, %add3A_12 : vector<2000x128xf32>
    %abs3A = math.absf %sub3A_11 : vector<2000x128xf32>
    %neg3A = arith.constant 0.000000e+00 : f32
    %neg3A_14 = vector.broadcast %neg3A : f32 to vector<2000x128xf32>
    %neg3A_15 = arith.subf %neg3A_14, %abs3A : vector<2000x128xf32>
    %exp3A = math.exp %neg3A_15 : vector<2000x128xf32>
    %log1p3A = math.log1p %exp3A : vector<2000x128xf32>
    %add3A_16 = arith.addf %max3A_10, %log1p3A : vector<2000x128xf32>
    %select_n3A = arith.select %ne3A, %add3A_13, %add3A_16 : vector<2000x128xi1>, vector<2000x128xf32>
    %log3A = arith.constant 2.000000e+00 : f32
    %log3A_17 = math.log %log3A : f32
    %sub3A_18 = vector.broadcast %log3A_17 : f32 to vector<2000x128xf32>
    %sub3A_19 = arith.subf %select_n3A, %sub3A_18 : vector<2000x128xf32>
    %get3A_20 = arith.constant 0 : index
    %get3A_21 = arith.constant 0 : index
    %get3A_22 = vector.load %arg4[%get3A_20, %get3A_21] : memref<128x128xf32, #tpu.memory_space<vmem>>, vector<128x128xf32>
    %dot_general3A_23 = arith.constant dense<0.000000e+00> : vector<2000x128xf32>
    %dot_general3A_24 = tpu.matmul %sub3A_19, %get3A_22, %dot_general3A_23 {dimension_numbers = #tpu.dot_dimension_numbers<[1], [0], [0], [1], [0, 0, 1, 1], [], []>, transpose_lhs_hint = false} : vector<2000x128xf32>, vector<128x128xf32>, vector<2000x128xf32> -> vector<2000x128xf32>
    %get3A_25 = arith.constant 0 : index
    %get3A_26 = arith.constant 0 : index
    %get3A_27 = vector.load %arg5[%get3A_25, %get3A_26] : memref<1x128xf32, #tpu.memory_space<vmem>>, vector<1x128xf32>
    %add3A_28 = vector.broadcast %get3A_27 : vector<1x128xf32> to vector<2000x128xf32>
    %add3A_29 = arith.addf %dot_general3A_24, %add3A_28 : vector<2000x128xf32>
    %custom_jvp_call3A_30 = arith.constant 0.000000e+00 : f32
    %max3A_31 = vector.broadcast %custom_jvp_call3A_30 : f32 to vector<2000x128xf32>
    %max3A_32 = arith.maximumf %add3A_29, %max3A_31 : vector<2000x128xf32>
    %sub3A_33 = vector.broadcast %custom_jvp_call3A_30 : f32 to vector<2000x128xf32>
    %sub3A_34 = arith.subf %add3A_29, %sub3A_33 : vector<2000x128xf32>
    %ne3A_35 = arith.cmpf one, %sub3A_34, %sub3A_34 : vector<2000x128xf32>
    %add3A_36 = vector.broadcast %custom_jvp_call3A_30 : f32 to vector<2000x128xf32>
    %add3A_37 = arith.addf %add3A_29, %add3A_36 : vector<2000x128xf32>
    %abs3A_38 = math.absf %sub3A_34 : vector<2000x128xf32>
    %neg3A_39 = arith.constant 0.000000e+00 : f32
    %neg3A_40 = vector.broadcast %neg3A_39 : f32 to vector<2000x128xf32>
    %neg3A_41 = arith.subf %neg3A_40, %abs3A_38 : vector<2000x128xf32>
    %exp3A_42 = math.exp %neg3A_41 : vector<2000x128xf32>
    %log1p3A_43 = math.log1p %exp3A_42 : vector<2000x128xf32>
    %add3A_44 = arith.addf %max3A_32, %log1p3A_43 : vector<2000x128xf32>
    %select_n3A_45 = arith.select %ne3A_35, %add3A_37, %add3A_44 : vector<2000x128xi1>, vector<2000x128xf32>
    %log3A_46 = arith.constant 2.000000e+00 : f32
    %log3A_47 = math.log %log3A_46 : f32
    %sub3A_48 = vector.broadcast %log3A_47 : f32 to vector<2000x128xf32>
    %sub3A_49 = arith.subf %select_n3A_45, %sub3A_48 : vector<2000x128xf32>
    %swap3A = arith.constant 0 : index
    %swap3A_50 = arith.constant 0 : index
    %swap3A_51 = vector.load %arg6[%swap3A, %swap3A_50] : memref<2000x128xf32, #tpu.memory_space<vmem>>, vector<2000x128xf32>
    tpu.vector_store %arg6[%swap3A, %swap3A_50], %sub3A_49 {strides = array<i32>} : memref<2000x128xf32, #tpu.memory_space<vmem>>, vector<2000x128xf32>,
    return
  }
  func.func @transform_0(%arg0: i32) -> (i32, i32) {
    %c0_i32 = arith.constant 0 : i32
    %c0_i32_0 = arith.constant 0 : i32
    return %arg0, %c0_i32 : i32, i32
  }
  func.func @transform_1(%arg0: i32) -> (i32, i32) {
    %c0_i32 = arith.constant 0 : i32
    %c0_i32_0 = arith.constant 0 : i32
    %c0_i32_1 = arith.constant 0 : i32
    return %c0_i32, %c0_i32_0 : i32, i32
  }
  func.func @transform_2(%arg0: i32) -> (i32, i32) {
    %c0_i32 = arith.constant 0 : i32
    %c0_i32_0 = arith.constant 0 : i32
    %c0_i32_1 = arith.constant 0 : i32
    return %c0_i32, %c0_i32_0 : i32, i32
  }
  func.func @transform_3(%arg0: i32) -> (i32, i32) {
    %c0_i32 = arith.constant 0 : i32
    %c0_i32_0 = arith.constant 0 : i32
    %c0_i32_1 = arith.constant 0 : i32
    return %c0_i32, %c0_i32_0 : i32, i32
  }
  func.func @transform_4(%arg0: i32) -> (i32, i32) {
    %c0_i32 = arith.constant 0 : i32
    %c0_i32_0 = arith.constant 0 : i32
    %c0_i32_1 = arith.constant 0 : i32
    return %c0_i32, %c0_i32_0 : i32, i32
  }
  func.func @transform_5(%arg0: i32) -> (i32, i32) {
    %c0_i32 = arith.constant 0 : i32
    %c0_i32_0 = arith.constant 0 : i32
    return %arg0, %c0_i32 : i32, i32
  }
}

module attributes {stable_mosaic.version = 14 : i64} {
  func.func @_hp_body(%arg0: i32, %arg1: memref<1000x128xf32, #tpu.memory_space<vmem>>, %arg2: memref<128x128xf32, #tpu.memory_space<vmem>>, %arg3: memref<1x128xf32, #tpu.memory_space<vmem>>, %arg4: memref<1000x128xf32, #tpu.memory_space<vmem>>) attributes {dimension_semantics = [#tpu.dimension_semantics<arbitrary>], iteration_bounds = array<i64: 10>, scalar_prefetch = 0 : i64, scratch_operands = 0 : i64, tpu.core_type = #tpu.core_type<tc>, window_params = [{transform_indices = @transform_0, window_bounds = array<i64: 1000, 128>}, {pipeline_mode = #tpu.pipeline_mode<synchronous>, transform_indices = @transform_1, window_bounds = array<i64: 128, 128>}, {pipeline_mode = #tpu.pipeline_mode<synchronous>, transform_indices = @transform_2, window_bounds = array<i64: 1, 128>}, {transform_indices = @transform_3, window_bounds = array<i64: 1000, 128>}]} {
    %get3A = arith.constant 0 : index
    %get3A_0 = arith.constant 0 : index
    %get3A_1 = vector.load %arg1[%get3A, %get3A_0] : memref<1000x128xf32, #tpu.memory_space<vmem>>, vector<1000x128xf32>
    %get3A_2 = arith.constant 0 : index
    %get3A_3 = arith.constant 0 : index
    %get3A_4 = vector.load %arg2[%get3A_2, %get3A_3] : memref<128x128xf32, #tpu.memory_space<vmem>>, vector<128x128xf32>
    %dot_general3A = arith.constant dense<0.000000e+00> : vector<1000x128xf32>
    %dot_general3A_5 = tpu.matmul %get3A_1, %get3A_4, %dot_general3A {dimension_numbers = #tpu.dot_dimension_numbers<[1], [0], [0], [1], [0, 0, 1, 1], [], []>, transpose_lhs_hint = false} : vector<1000x128xf32>, vector<128x128xf32>, vector<1000x128xf32> -> vector<1000x128xf32>
    %get3A_6 = arith.constant 0 : index
    %get3A_7 = arith.constant 0 : index
    %get3A_8 = vector.load %arg3[%get3A_6, %get3A_7] : memref<1x128xf32, #tpu.memory_space<vmem>>, vector<1x128xf32>
    %add3A = vector.broadcast %get3A_8 : vector<1x128xf32> to vector<1000x128xf32>
    %add3A_9 = arith.addf %dot_general3A_5, %add3A : vector<1000x128xf32>
    %swap3A = arith.constant 0 : index
    %swap3A_10 = arith.constant 0 : index
    %swap3A_11 = vector.load %arg4[%swap3A, %swap3A_10] : memref<1000x128xf32, #tpu.memory_space<vmem>>, vector<1000x128xf32>
    tpu.vector_store %arg4[%swap3A, %swap3A_10], %add3A_9 {strides = array<i32>} : memref<1000x128xf32, #tpu.memory_space<vmem>>, vector<1000x128xf32>,
    return
  }
  func.func @transform_0(%arg0: i32) -> (i32, i32) {
    %c0_i32 = arith.constant 0 : i32
    %c0_i32_0 = arith.constant 0 : i32
    return %arg0, %c0_i32 : i32, i32
  }
  func.func @transform_1(%arg0: i32) -> (i32, i32) {
    %c0_i32 = arith.constant 0 : i32
    %c0_i32_0 = arith.constant 0 : i32
    %c0_i32_1 = arith.constant 0 : i32
    return %c0_i32, %c0_i32_0 : i32, i32
  }
  func.func @transform_2(%arg0: i32) -> (i32, i32) {
    %c0_i32 = arith.constant 0 : i32
    %c0_i32_0 = arith.constant 0 : i32
    %c0_i32_1 = arith.constant 0 : i32
    return %c0_i32, %c0_i32_0 : i32, i32
  }
  func.func @transform_3(%arg0: i32) -> (i32, i32) {
    %c0_i32 = arith.constant 0 : i32
    %c0_i32_0 = arith.constant 0 : i32
    return %arg0, %c0_i32 : i32, i32
  }
}

module attributes {stable_mosaic.version = 14 : i64} {
  func.func @_final_body(%arg0: i32, %arg1: memref<2x1000x128xf32, #tpu.memory_space<vmem>>, %arg2: memref<1000x128xf32, #tpu.memory_space<vmem>>, %arg3: memref<128x128xf32, #tpu.memory_space<vmem>>, %arg4: memref<1x128xf32, #tpu.memory_space<vmem>>, %arg5: memref<128x128xf32, #tpu.memory_space<vmem>>, %arg6: memref<1x128xf32, #tpu.memory_space<vmem>>, %arg7: memref<1000x128xf32, #tpu.memory_space<vmem>>) attributes {dimension_semantics = [#tpu.dimension_semantics<arbitrary>], iteration_bounds = array<i64: 10>, scalar_prefetch = 0 : i64, scratch_operands = 0 : i64, tpu.core_type = #tpu.core_type<tc>, window_params = [{transform_indices = @transform_0, window_bounds = array<i64: 2, 1000, 128>}, {transform_indices = @transform_1, window_bounds = array<i64: 1000, 128>}, {pipeline_mode = #tpu.pipeline_mode<synchronous>, transform_indices = @transform_2, window_bounds = array<i64: 128, 128>}, {pipeline_mode = #tpu.pipeline_mode<synchronous>, transform_indices = @transform_3, window_bounds = array<i64: 1, 128>}, {pipeline_mode = #tpu.pipeline_mode<synchronous>, transform_indices = @transform_4, window_bounds = array<i64: 128, 128>}, {pipeline_mode = #tpu.pipeline_mode<synchronous>, transform_indices = @transform_5, window_bounds = array<i64: 1, 128>}, {transform_indices = @transform_6, window_bounds = array<i64: 1000, 128>}]} {
    %get3A = arith.constant 0 : index
    %get3A_0 = arith.constant 0 : index
    %get3A_1 = arith.constant 0 : index
    %get3A_2 = vector.load %arg1[%get3A, %get3A_0, %get3A_1] : memref<2x1000x128xf32, #tpu.memory_space<vmem>>, vector<1x1000x128xf32>
    %get3A_3 = vector.shape_cast %get3A_2 : vector<1x1000x128xf32> to vector<1000x128xf32>
    %get3A_4 = arith.constant 1 : index
    %get3A_5 = arith.constant 0 : index
    %get3A_6 = arith.constant 0 : index
    %get3A_7 = vector.load %arg1[%get3A_4, %get3A_5, %get3A_6] : memref<2x1000x128xf32, #tpu.memory_space<vmem>>, vector<1x1000x128xf32>
    %get3A_8 = vector.shape_cast %get3A_7 : vector<1x1000x128xf32> to vector<1000x128xf32>
    %add3A = arith.addf %get3A_3, %get3A_8 : vector<1000x128xf32>
    %get3A_9 = arith.constant 0 : index
    %get3A_10 = arith.constant 0 : index
    %get3A_11 = vector.load %arg3[%get3A_9, %get3A_10] : memref<128x128xf32, #tpu.memory_space<vmem>>, vector<128x128xf32>
    %dot_general3A = arith.constant dense<0.000000e+00> : vector<1000x128xf32>
    %dot_general3A_12 = tpu.matmul %add3A, %get3A_11, %dot_general3A {dimension_numbers = #tpu.dot_dimension_numbers<[1], [0], [0], [1], [0, 0, 1, 1], [], []>, transpose_lhs_hint = false} : vector<1000x128xf32>, vector<128x128xf32>, vector<1000x128xf32> -> vector<1000x128xf32>
    %get3A_13 = arith.constant 0 : index
    %get3A_14 = arith.constant 0 : index
    %get3A_15 = vector.load %arg4[%get3A_13, %get3A_14] : memref<1x128xf32, #tpu.memory_space<vmem>>, vector<1x128xf32>
    %add3A_16 = vector.broadcast %get3A_15 : vector<1x128xf32> to vector<1000x128xf32>
    %add3A_17 = arith.addf %dot_general3A_12, %add3A_16 : vector<1000x128xf32>
    %custom_jvp_call3A = arith.constant 0.000000e+00 : f32
    %max3A = vector.broadcast %custom_jvp_call3A : f32 to vector<1000x128xf32>
    %max3A_18 = arith.maximumf %add3A_17, %max3A : vector<1000x128xf32>
    %sub3A = vector.broadcast %custom_jvp_call3A : f32 to vector<1000x128xf32>
    %sub3A_19 = arith.subf %add3A_17, %sub3A : vector<1000x128xf32>
    %ne3A = arith.cmpf one, %sub3A_19, %sub3A_19 : vector<1000x128xf32>
    %add3A_20 = vector.broadcast %custom_jvp_call3A : f32 to vector<1000x128xf32>
    %add3A_21 = arith.addf %add3A_17, %add3A_20 : vector<1000x128xf32>
    %abs3A = math.absf %sub3A_19 : vector<1000x128xf32>
    %neg3A = arith.constant 0.000000e+00 : f32
    %neg3A_22 = vector.broadcast %neg3A : f32 to vector<1000x128xf32>
    %neg3A_23 = arith.subf %neg3A_22, %abs3A : vector<1000x128xf32>
    %exp3A = math.exp %neg3A_23 : vector<1000x128xf32>
    %log1p3A = math.log1p %exp3A : vector<1000x128xf32>
    %add3A_24 = arith.addf %max3A_18, %log1p3A : vector<1000x128xf32>
    %select_n3A = arith.select %ne3A, %add3A_21, %add3A_24 : vector<1000x128xi1>, vector<1000x128xf32>
    %log3A = arith.constant 2.000000e+00 : f32
    %log3A_25 = math.log %log3A : f32
    %sub3A_26 = vector.broadcast %log3A_25 : f32 to vector<1000x128xf32>
    %sub3A_27 = arith.subf %select_n3A, %sub3A_26 : vector<1000x128xf32>
    %get3A_28 = arith.constant 0 : index
    %get3A_29 = arith.constant 0 : index
    %get3A_30 = vector.load %arg5[%get3A_28, %get3A_29] : memref<128x128xf32, #tpu.memory_space<vmem>>, vector<128x128xf32>
    %dot_general3A_31 = arith.constant dense<0.000000e+00> : vector<1000x128xf32>
    %dot_general3A_32 = tpu.matmul %sub3A_27, %get3A_30, %dot_general3A_31 {dimension_numbers = #tpu.dot_dimension_numbers<[1], [0], [0], [1], [0, 0, 1, 1], [], []>, transpose_lhs_hint = false} : vector<1000x128xf32>, vector<128x128xf32>, vector<1000x128xf32> -> vector<1000x128xf32>
    %get3A_33 = arith.constant 0 : index
    %get3A_34 = arith.constant 0 : index
    %get3A_35 = vector.load %arg6[%get3A_33, %get3A_34] : memref<1x128xf32, #tpu.memory_space<vmem>>, vector<1x128xf32>
    %add3A_36 = vector.broadcast %get3A_35 : vector<1x128xf32> to vector<1000x128xf32>
    %add3A_37 = arith.addf %dot_general3A_32, %add3A_36 : vector<1000x128xf32>
    %get3A_38 = arith.constant 0 : index
    %get3A_39 = arith.constant 0 : index
    %get3A_40 = vector.load %arg2[%get3A_38, %get3A_39] : memref<1000x128xf32, #tpu.memory_space<vmem>>, vector<1000x128xf32>
    %add3A_41 = arith.addf %add3A_37, %get3A_40 : vector<1000x128xf32>
    %swap3A = arith.constant 0 : index
    %swap3A_42 = arith.constant 0 : index
    %swap3A_43 = vector.load %arg7[%swap3A, %swap3A_42] : memref<1000x128xf32, #tpu.memory_space<vmem>>, vector<1000x128xf32>
    tpu.vector_store %arg7[%swap3A, %swap3A_42], %add3A_41 {strides = array<i32>} : memref<1000x128xf32, #tpu.memory_space<vmem>>, vector<1000x128xf32>,
    return
  }
  func.func @transform_0(%arg0: i32) -> (i32, i32, i32) {
    %c0_i32 = arith.constant 0 : i32
    %c0_i32_0 = arith.constant 0 : i32
    %c0_i32_1 = arith.constant 0 : i32
    return %c0_i32, %arg0, %c0_i32_0 : i32, i32, i32
  }
  func.func @transform_1(%arg0: i32) -> (i32, i32) {
    %c0_i32 = arith.constant 0 : i32
    %c0_i32_0 = arith.constant 0 : i32
    return %arg0, %c0_i32 : i32, i32
  }
  func.func @transform_2(%arg0: i32) -> (i32, i32) {
    %c0_i32 = arith.constant 0 : i32
    %c0_i32_0 = arith.constant 0 : i32
    %c0_i32_1 = arith.constant 0 : i32
    return %c0_i32, %c0_i32_0 : i32, i32
  }
  func.func @transform_3(%arg0: i32) -> (i32, i32) {
    %c0_i32 = arith.constant 0 : i32
    %c0_i32_0 = arith.constant 0 : i32
    %c0_i32_1 = arith.constant 0 : i32
    return %c0_i32, %c0_i32_0 : i32, i32
  }
  func.func @transform_4(%arg0: i32) -> (i32, i32) {
    %c0_i32 = arith.constant 0 : i32
    %c0_i32_0 = arith.constant 0 : i32
    %c0_i32_1 = arith.constant 0 : i32
    return %c0_i32, %c0_i32_0 : i32, i32
  }
  func.func @transform_5(%arg0: i32) -> (i32, i32) {
    %c0_i32 = arith.constant 0 : i32
    %c0_i32_0 = arith.constant 0 : i32
    %c0_i32_1 = arith.constant 0 : i32
    return %c0_i32, %c0_i32_0 : i32, i32
  }
  func.func @transform_6(%arg0: i32) -> (i32, i32) {
    %c0_i32 = arith.constant 0 : i32
    %c0_i32_0 = arith.constant 0 : i32
    return %arg0, %c0_i32 : i32, i32
  }
}

</mosaic_0001>

<sc_bundles>
// kernel: kernel.6.cloned.1.call-start
scs
__scs_entry_jumppad:
0x0: {  	(pc) =	sbr.rel $0x88, $3  }
0x1: {  	(tag) =	ssettag $0x0;
	lr =	simm.s32 $0x1  }
0x2: {  	[smem:$0x3F94] =	sst lr;
	_ =	strace $0xD0000000  }
0x3: {  	_ = 	snop  }
0x4: {  	_ = 	snop  }
0x5: {  	_ = 	snop  }
0x6: {  	_ = 	snop  }
0x7: {  	_ = 	snop  }
__scs_overlays_trampoline_lowered:
0x8: {  	[smem:$0x3FA3] =	sst s0  }
0x9: {  	[smem:$0x3FA4] =	sst s1  }
0xa: {  	[smem:$0x3FA5] =	sst s2  }
0xb: {  	[smem:$0x3FA6] =	sst s3  }
0xc: {  	[smem:$0x3FA7] =	sst s4  }
0xd: {  	[smem:$0x3FA8] =	sst s5  }
0xe: {  	[smem:$0x3FA9] =	sst s6  }
0xf: {  	[smem:$0x3FAA] =	sst s7  }
0x10: {  	[smem:$0x3FAB] =	sst s8  }
0x11: {  	[smem:$0x3FAC] =	sst s9;
	s0 =	simm.s32 @!p0 $0x0  }
0x12: {  	s1 =	sld [smem:$0x3F92];
	s0 =	simm.s32 @p0 $0x1  }
0x13: {  	[smem:$0x3FAD] =	sst s0;
	s0 =	simm.s32 @!p1 $0x0  }
0x14: {  	s2 =	sld [smem:$0x3F91];
	s0 =	simm.s32 @p1 $0x1  }
0x15: {  	[smem:$0x3FAE] =	sst s0;
	s0 =	simm.s32 @!p2 $0x0  }
0x16: {  	s3 =	sld [smem:$0x3FDB];
	s0 =	simm.s32 @p2 $0x1  }
0x17: {  	s4 =	simm.s32 $0x1BF5;
	[smem:$0x3FB0] =	sst s0  }
0x18: {  	s0 =	sld [smem:$0x3F93];
	_ =	swait.ge [sflag:s4], $0x0  }
0x19: {  	s7 =	sld [smem:$0x3F94]  }
0x1a: {  	s8 =	sadd.s32 $0xFFFFE003, lr  }
0x1b: {  	s9 =	sadd.s32 $0xFFFFFEF7, lr;
	s5 =	simm.s32 $0xFFFFFFFF;
	p2 =	slt.u32 s8, $0xFFFFF086  }
0x1c: {  	p1 =	slt.u32 s9, $0xF7A;
	s5 =	simm.s32 @!p2 $0x0  }
0x1d: {  	s5 =	simm.s32 @p1 $0x1;
	p0 =	seq.s32 s7, s2  }
0x1e: {  	s7 =	smul.u32 @!p0 $0xF7A, s2;
	p2 =	seq.s32 @!p0 s5, $0x0  }
0x1f: {  	s9 =	smul.u32 $0xF7A, s1;
	s8 =	simm.s32 @!p0 $0x1BF5;
	p2 =	por !p2, p0  }
0x20: {  	[sflag:s8] =	ssyncset.s32 @!p0 $0xFFFFF086;
	s6 =	sadd.s32 @!p0 s3, s7;
	s7 =	simm.s32 @!p0 $0x108  }
0x21: {  	s3 =	sadd.s32 s3, s9;
	s6 =	sadd.s32 @!p0 $0x88, s6;
	s7 =	simm.s32 @p2 $0x1082  }
0x22: {  	[simem:s7], [sflag:s8] =	dma.local @!p0 [hbm:s6], $0xF7A  }
0x23: {  	s9 =	sor.u32 $0xD0000000, s2;
	s6 =	simm.s32 $0x108;
	_ =	swait.ge @!p0 [sflag:s8], $0x0  }
0x24: {  	s3 =	sadd.s32 $0x88, s3;
	s6 =	simm.s32 @!p1 $0x1082;
	[sflag:s4] =	ssyncset.s32 $0xFFFFF086  }
0x25: {  	[simem:s6], [sflag:s4] =	dma.local [hbm:s3], $0xF7A  }
0x26: {  	[smem:$0x3F94] =	sst s1;
	(tag) =	ssettag s2;
	_ =	strace s9  }
0x27: {  	s1 =	sld [smem:$0x3FA4]  }
0x28: {  	s2 =	sld [smem:$0x3FA5]  }
0x29: {  	s4 =	sld [smem:$0x3FA7]  }
0x2a: {  	p0 =	seq.s32 s5, $0x0;
	s5 =	sld [smem:$0x3FA8]  }
0x2b: {  	s6 =	sld [smem:$0x3FA9]  }
0x2c: {  	s7 =	sld [smem:$0x3FAA]  }
0x2d: {  	s3 =	simm.s32 $0x108;
	s8 =	sld [smem:$0x3FAB]  }
0x2e: {  	s3 =	simm.s32 @!p0 $0x1082;
	s9 =	sld [smem:$0x3FAC]  }
0x2f: {  	lr =	sadd.s32 s0, s3;
	s0 =	sld [smem:$0x3FA3]  }
0x30: {  	s3 =	sld [smem:$0x3FA6]  }
0x31: {  	[smem:$0x3FAF] =	sst s10  }
0x32: {  	s10 =	sld [smem:$0x3FAD];
	_ =	sdelay $0x3  }
0x33: {  	p0 =	seq.s32 s10, $0x1;
	s10 =	sld [smem:$0x3FAF];
	_ =	sdelay $0x3  }
0x34: {  	[smem:$0x3FAF] =	sst s10  }
0x35: {  	s10 =	sld [smem:$0x3FAE];
	_ =	sdelay $0x3  }
0x36: {  	p1 =	seq.s32 s10, $0x1;
	s10 =	sld [smem:$0x3FAF];
	_ =	sdelay $0x3  }
0x37: {  	[smem:$0x3FAF] =	sst s10  }
0x38: {  	s10 =	sld [smem:$0x3FB0]  }
0x39: {  	_ = 	snop;
	(pc) =	sbr.ind lr, $3  }
0x3a: {  	_ = 	snop  }
0x3b: {  	_ = 	snop  }
0x3c: {  	p2 =	seq.s32 s10, $0x1;
	s10 =	sld [smem:$0x3FAF]  }
0x3d: {  	_ =	shalt  }
0x3e: {  	_ =	shalt  }
0x3f: {  	_ =	shalt  }
0x40: {  	_ =	shalt  }
0x41: {  	_ =	shalt  }
0x42: {  	_ =	shalt  }
0x43: {  	_ =	shalt  }
0x44: {  	_ =	shalt  }
0x45: {  	_ =	shalt  }
0x46: {  	_ =	shalt  }
0x47: {  	_ =	shalt  }
0x48: {  	_ =	shalt  }
0x49: {  	_ =	shalt  }
0x4a: {  	_ =	shalt  }
0x4b: {  	_ =	shalt  }
0x4c: {  	_ =	shalt  }
0x4d: {  	_ =	shalt  }
0x4e: {  	_ =	shalt  }
0x4f: {  	_ =	shalt  }
0x50: {  	_ =	shalt  }
0x51: {  	_ =	shalt  }
0x52: {  	_ =	shalt  }
0x53: {  	_ =	shalt  }
0x54: {  	_ =	shalt  }
0x55: {  	_ =	shalt  }
0x56: {  	_ =	shalt  }
0x57: {  	_ =	shalt  }
0x58: {  	_ =	shalt  }
0x59: {  	_ =	shalt  }
0x5a: {  	_ =	shalt  }
0x5b: {  	_ =	shalt  }
0x5c: {  	_ =	shalt  }
0x5d: {  	_ =	shalt  }
0x5e: {  	_ =	shalt  }
0x5f: {  	_ =	shalt  }
0x60: {  	_ =	shalt  }
0x61: {  	_ =	shalt  }
0x62: {  	_ =	shalt  }
0x63: {  	_ =	shalt  }
0x64: {  	_ =	shalt  }
0x65: {  	_ =	shalt  }
0x66: {  	_ =	shalt  }
0x67: {  	_ =	shalt  }
0x68: {  	_ =	shalt  }
0x69: {  	_ =	shalt  }
0x6a: {  	_ =	shalt  }
0x6b: {  	_ =	shalt  }
0x6c: {  	_ =	shalt  }
0x6d: {  	_ =	shalt  }
0x6e: {  	_ =	shalt  }
0x6f: {  	_ =	shalt  }
0x70: {  	_ =	shalt  }
0x71: {  	_ =	shalt  }
0x72: {  	_ =	shalt  }
0x73: {  	_ =	shalt  }
0x74: {  	_ =	shalt  }
0x75: {  	_ =	shalt  }
0x76: {  	_ =	shalt  }
0x77: {  	_ =	shalt  }
0x78: {  	_ =	shalt  }
0x79: {  	_ =	shalt  }
0x7a: {  	_ =	shalt  }
0x7b: {  	_ =	shalt  }
0x7c: {  	_ =	shalt  }
0x7d: {  	_ =	shalt  }
0x7e: {  	_ =	shalt  }
0x7f: {  	_ =	shalt  }
0x80: {  	_ =	shalt  }
0x81: {  	_ =	shalt  }
0x82: {  	_ =	shalt  }
0x83: {  	_ =	shalt  }
0x84: {  	_ =	shalt  }
0x85: {  	_ =	shalt  }
0x86: {  	_ =	shalt  }
0x87: {  	_ =	shalt  }
.Lfunc_end0:
.L_simem_size_0:
called_computation_lowered:
.L_overlay_start_0:
0x88: {  	s2 =	sld [smem:$0x3FD9]  }
0x89: {  	s3 =	sld [smem:$0x3FFE];
	_ =	sdelay $0x1  }
0x8a: {  	s1 =	srdreg.scid  }
0x8b: {  	s0 =	sand.u32 $0x1, s1  }
0x8c: {  	s17 =	sshll.u32 s0, $0xA;
	s2 =	sadd.s32 s3, s2  }
0x8d: {  	s2 =	sadd.s32 s2, s17  }
0x8e: {  	[smem:$0x3FBB] =	sst s2  }
0x8f: {  	_ = 	snop  }
0x90: {  	s2 =	sld [smem:$0x3FD0];
	(tm) =	ssettm $0x1  }
0x91: {  	s18 =	sld [smem:$0x3FFB];
	_ =	sdelay $0x3  }
0x92: {  	_ =	strace s18  }
0x93: {  	s3 =	sld [smem:$0x3FFC];
	_ =	sdelay $0x3  }
0x94: {  	_ =	strace s3  }
0x95: {  	s3 =	sld [smem:$0x3FFD];
	_ =	sdelay $0x3  }
0x96: {  	_ =	strace s3  }
0x97: {  	_ =	strace $0x8FFFFFFF  }
0x98: {  	s19 =	sld [smem:$0x3FDB];
	_ =	sdelay $0x1  }
0x99: {  	s4 =	simm.s32 $_scs_section_size  }
0x9a: {  	s5 =	simm.s32 $_size__tile_overlayer_lowered;
	s6 =	simm.s32 $_tile_overlayer_lowered  }
0x9b: {  	s22 =	simm.s32 $0x1BFF;
	s21 =	sshll.u32 s6, $0x1;
	s3 =	sadd.s32 s4, s19  }
0x9c: {  	s7 =	simm.s32 $0x0;
	s20 =	sshll.u32 s5, $0x1;
	s5 =	sadd.s32 s21, s3  }
0x9d: {  	[timem:s7], [sflag:s22] =	dma.local [hbm:s5], s20  }
0x9e: {  	_ =	swait.ge [sflag:s22], s20  }
0x9f: {  	s4 =	ssub.s32 $0x0, s20;
	[sflag:s22] =	ssyncset.done $0x0  }
0xa0: {  	[sflag:s22] =	ssyncadd.s32 s4;
	_ =	sdelay $0x1  }
0xa1: {  	s23 =	simm.s32 $0x1B8B  }
0xa2: {  	_ =	swait.ge [sflag:s23], $0x1  }
0xa3: {  	[sflag:s23] =	ssyncset.done $0x0  }
0xa4: {  	s25 =	simm.s32 $0x1B8E;
	s24 =	sld [smem:$0x3FFE];
	[sflag:s23] =	ssyncadd.s32 $0xFFFFFFFF  }
0xa5: {  	s26 =	simm.s32 $execute0_lowered;
	[smem:$0x3FD2] =	sst s25  }
0xa6: {  	s5 =	sshll.u32 s26, $0x1;
	_ =	strace $0x80000046;
	[dreg:$0x1] =	wrdreg $0xFFFFFFFF  }
0xa7: {  	s28 =	simm.s32 $_size_execute0_lowered;
	s3 =	sadd.s32 s3, s5;
	[dreg:$0x0] =	wrdreg $0x0  }
0xa8: {  	s5 =	sshll.u32 s28, $0x1;
	[dreg:$0x2] =	wrdreg s3  }
0xa9: {  	[dreg:$0x3] =	wrdreg s5  }
0xaa: {  	[dreg:$0x4] =	wrdreg $0xC0  }
0xab: {  	_ =	task [dreg:s7], $0x5FFFF  }
0xac: {  	[dreg:$0x1] =	wrdreg $0xFFFFFFFF  }
0xad: {  	[dreg:$0x0] =	wrdreg $0x60  }
0xae: {  	[dreg:$0x2] =	wrdreg s2  }
0xaf: {  	[dreg:$0x3] =	wrdreg s24  }
0xb0: {  	[dreg:$0x4] =	wrdreg $0x0  }
0xb1: {  	[dreg:$0x5] =	wrdreg $0x9  }
0xb2: {  	_ =	task.clear_ibuf [dreg:s7], $0x6FFFF;
	_ =	strace $0x90000046  }
0xb3: {  	s29 =	simm.s32 $0x9;
	_ =	strace $0x80000048  }
0xb4: {  	_ =	swait.ge [sflag:s29], $0x1  }
0xb5: {  	[sflag:s29] =	ssyncadd.s32 $0xFFFFFFFF  }
0xb6: {  	_ =	strace $0x90000048  }
0xb7: {  	_ =	sfence  }
0xb8: {  	s30 =	sld [smem:$0x0];
	_ =	sdelay $0x2  }
0xb9: {  	s31 =	sshll.u32 s1, $0xD;
	s1 =	sshrl.u32 s1, $0x2  }
0xba: {  	s3 =	sand.u32 $0x4000, s31;
	s1 =	sadd.s32 s1, s30  }
0xbb: {  	s0 =	sor.u32 s3, s0;
	s1 =	sshll.u32 s1, $0x11  }
0xbc: {  	s0 =	sor.u32 s1, s0  }
0xbd: {  	s0 =	sadd.s32 $0x8F2B, s0  }
0xbe: {  	[sflag:s0] =	ssyncadd.remote.s32 $0x1  }
0xbf: {  	_ =	sfence.sel $0xFFFF  }
0xc0: {  	[dreg:$0x0] =	wrdreg $0xFFFFFFFF;
	(pc) =	sbr.abs _section_cstart, $3  }
0xc1: {  	[dreg:$0x1] =	wrdreg $0xFFFFFFFF  }
0xc2: {  	_ =	task.clear_ibuf [dreg:s7], $0x2FFFF;
	_ =	strace $0x9FFFFFFF  }
0xc3: {  	(tm) =	ssettm $0x7FFFFFFF  }
tec
execute0_lowered:
.L_overlay_start_1:
0x0: {  	(tag) =	ssettag $0x1  }
0x1: {  	s1 =	rddreg [dreg:$0x0]  }
0x2: {  	s8 =	rddreg [dreg:$0x1]  }
0x3: {  	s2 =	rddreg [dreg:$0x2]  }
0x4: {  	s0 =	rddreg [dreg:$0x3];
	s3 =	simm.s32 $0x0  }
0x5: {  	s9 =	srdreg.scid;
	s14 =	stileid.u32;
	s19 =	simm.s32 $0x50  }
0x6: {  	s20 =	simm.s32 $0x15880;
	s22 =	simm.s32 $0x18080;
	[smem:$0x7FF] =	sst s3  }
0x7: {  	s21 =	simm.s32 $0x1;
	s4 =	sadd.s32 $0x50BE00, s8;
	s5 =	sadd.s32 $0x4E3E00, s8  }
0x8: {  	s6 =	sadd.s32 $0x4F7E00, s8;
	s7 =	sadd.s32 $0x1E00, s8;
	s10 =	smul.u32 $0x4E000, s14  }
0x9: {  	s9 =	sand.u32 $0x1, s9;
	s12 =	sadd.s32 $0x4600, s8;
	s28 =	smul.u32 $0x13800, s14  }
0xa: {  	s30 =	sshll.u32 s14, $0x6;
	s18 =	sadd.s32 $0x138000, s2;
	p0 =	sne.s32 s14, $0x0  }
0xb: {  	_ =	strace $0x80000047;
	s25 =	ssub.s32 $0x2, s9;
	s13 =	sshll.u32 s9, $0x4  }
0xc: {  	s15 =	smul.u32 $0x138800, s9;
	s9 =	sor.u32 $0x1C02, s30;
	s11 =	sshrl.u32 s25, $0x1  }
0xd: {  	s26 =	sor.u32 s14, s13;
	s29 =	sshrl.u32 s10, $0x2;
	s16 =	ssub.s32 s25, s11  }
0xe: {  	s8 =	smul.u32 $0x2710, s26;
	s17 =	sadd.s32 s29, s2;
	s31 =	sadd.s32 s28, s15  }
0xf: {  	s15 =	sshrl.u32 s15, $0x3;
	s10 =	smul.u32 $0x5000, s26;
	s13 =	sshrl.u32 s31, $0x3  }
0x10: {  	s14 =	sshrl.u32 s17, $0x3;
	s17 =	simm.s32 $0x13880;
	s11 =	sadd.s32 s12, s13  }
0x11: {  	s12 =	sadd.s32 s12, s15;
	s13 =	smax.u32 s16, $0x1;
	s15 =	simm.s32 $0x2  }
0x12: {  	s16 =	sshrl.u32 @!p0 s18, $0x3;
	s18 =	simm.s32 $0x14880;
	s12 =	sadd.s32 $0x27000, s12  }
.LBB2_1:
0x13: {  	[spmem:s14], [sflag:s9] =	dma.local [hbm:s7], $0x2700  }
0x14: {  	_ =	swait.ge [sflag:s15], $0x2700  }
0x15: {  	[sflag:s15] =	ssyncset.done $0x0  }
0x16: {  	s23 =	simm.s32 @!p0 $0x2;
	[sflag:s15] =	ssyncadd.s32 $0xFFFFD900  }
0x17: {  	[spmem:s16], [sflag:s9] =	dma.local @!p0 [hbm:s7], $0x100  }
0x18: {  	_ =	swait.ge @!p0 [sflag:s23], $0x100  }
0x19: {  	[sflag:s23] =	ssyncset.done @!p0 $0x0  }
0x1a: {  	[sflag:s23] =	ssyncadd.s32 @!p0 $0xFFFFFF00  }
0x1b: {  	s23 =	simm.s32 $0x0;
	[bflag:$0x0] =	sbarrier.arrive $0xFFFF  }
.LBB2_2:
0x1c: {  	s24 =	sshll.u32 s23, $0xC  }
0x1d: {  	s24 =	sadd.s32 s10, s24  }
0x1e: {  	s25 =	sshrl.u32 s24, $0x3  }
0x1f: {  	s24 =	simm.s32 $0x0;
	s26 =	sadd.s32 s5, s25  }
0x20: {  	[tilespmem:s17], [sflag:$0x2] =	stream.linear.gather [hbm4b:s26+s24], $0xC80, $0x38;
	[tilespmem:$0x1A880] =	vst v63  }
0x21: {  	_ =	swait.ge [sflag:s15], $0xC80  }
0x22: {  	[sflag:s15] =	ssyncset.done $0x0  }
0x23: {  	s25 =	sadd.s32 s6, s25;
	[sflag:s15] =	ssyncadd.s32 $0xFFFFF380  }
0x24: {  	[tilespmem:s18], [sflag:$0x2] =	stream.linear.gather [hbm4b:s25+s24], $0xC80, $0x38;
	[tilespmem:$0x1A880] =	vst v63  }
0x25: {  	_ =	swait.ge [sflag:s15], $0xC80  }
0x26: {  	[sflag:s15] =	ssyncset.done $0x0  }
0x27: {  	s26 =	simm.s32 $0x0;
	s25 =	smul.u32 $0x19, s23;
	[sflag:s15] =	ssyncadd.s32 $0xFFFFF380  }
.LBB2_3:
0x28: {  	_ = 	snop  }
0x29: {  	s28 =	sshll.u32 s26, $0x7;
	s29 =	sadd.s32 s25, s26  }
0x2a: {  	s30 =	sadd.s32 $0x13880, s28;
	s29 =	smul.u32 $0x50, s29  }
0x2b: {  	[tilespmem:s20], [sflag:$0x1] =	stream.indirect.gather [hbm4b:s1+s19], $0x80, s30, s19, $0xb8;
	[tilespmem:$0x1A880] =	vst v63  }
0x2c: {  	_ =	swait.ge [sflag:s21], $0x2800;
	s29 =	sadd.s32 s8, s29  }
0x2d: {  	[sflag:s21] =	ssyncset.done $0x0;
	s29 =	sshll.u32 s29, $0x4  }
0x2e: {  	[sflag:s21] =	ssyncadd.s32 $0xFFFFD800;
	s29 =	sadd.s32 s4, s29  }
0x2f: {  	[tilespmem:s22], [sflag:$0x2] =	stream.linear.gather [hbm4b:s29+s24], $0x2800, $0x38;
	[tilespmem:$0x1A880] =	vst v63  }
0x30: {  	_ =	swait.ge [sflag:s15], $0x2800  }
0x31: {  	[sflag:s15] =	ssyncset.done $0x0  }
0x32: {  	s29 =	simm.s32 $0x0;
	[sflag:s15] =	ssyncadd.s32 $0xFFFFD800  }
0x33: {  	v7 =	vld [tilespmem:s29+$0x18080]  }
0x34: {  	v11 =	vld [tilespmem:s29+$0x18090]  }
0x35: {  	v5 =	vld [tilespmem:s29+$0x180A0]  }
0x36: {  	v4 =	vld [tilespmem:s29+$0x180B0]  }
0x37: {  	v3 =	vld [tilespmem:s29+$0x180C0]  }
0x38: {  	v2 =	vld [tilespmem:s29+$0x180D0]  }
0x39: {  	v1 =	vld [tilespmem:s29+$0x180E0]  }
0x3a: {  	v0 =	vld [tilespmem:s29+$0x180F0]  }
0x3b: {  	v12 =	vld [tilespmem:s29+$0x15880]  }
0x3c: {  	v13 =	vld [tilespmem:s29+$0x15890]  }
0x3d: {  	v10 =	vld [tilespmem:s29+$0x158A0]  }
0x3e: {  	v9 =	vld [tilespmem:s29+$0x158B0]  }
0x3f: {  	v8 =	vld [tilespmem:s29+$0x158C0]  }
0x40: {  	v6 =	vld [tilespmem:s29+$0x158D0];
	v12 =	vmul.f32 v7, v12  }
0x41: {  	s30 =	simm.s32 $0x200;
	v11 =	vmul.f32 v11, v13;
	v7 =	vld [tilespmem:s29+$0x158E0]  }
.LBB2_4:
0x42: {  	s31 =	sshra.s32 s30, $0x2;
	p1 =	sne.s32 s30, $0x9E00;
	[tilespmem:s29+$0x15880] =	vst v12;
	v5 =	vmul.f32 v5, v10;
	v10 =	vld [tilespmem:s29+$0x158F0]  }
0x43: {  	v12 =	vld [tilespmem:s31+$0x18080];
	[tilespmem:s29+$0x15890] =	vst v11;
	v4 =	vmul.f32 v4, v9  }
0x44: {  	v11 =	vld [tilespmem:s31+$0x18090];
	[tilespmem:s29+$0x158A0] =	vst v5;
	v3 =	vmul.f32 v3, v8  }
0x45: {  	v5 =	vld [tilespmem:s31+$0x180A0];
	[tilespmem:s29+$0x158B0] =	vst v4;
	v2 =	vmul.f32 v2, v6  }
0x46: {  	v4 =	vld [tilespmem:s31+$0x180B0];
	[tilespmem:s29+$0x158C0] =	vst v3;
	v1 =	vmul.f32 v1, v7  }
0x47: {  	v3 =	vld [tilespmem:s31+$0x180C0];
	[tilespmem:s29+$0x158D0] =	vst v2;
	v0 =	vmul.f32 v0, v10  }
0x48: {  	v2 =	vld [tilespmem:s31+$0x180D0];
	[tilespmem:s29+$0x158E0] =	vst v1  }
0x49: {  	v1 =	vld [tilespmem:s31+$0x180E0];
	[tilespmem:s29+$0x158F0] =	vst v0;
	s29 =	smov.u32 s31  }
0x4a: {  	v0 =	vld [tilespmem:s29+$0x180F0]  }
0x4b: {  	v6 =	vld [tilespmem:s29+$0x15880]  }
0x4c: {  	v7 =	vld [tilespmem:s29+$0x15890]  }
.Ltmp0:
0x4d: {  	v10 =	vld [tilespmem:s29+$0x158A0];
	(pc) =	sbr.rel @p1 .LBB2_4-.Ltmp0, $4  }
0x4e: {  	v9 =	vld [tilespmem:s29+$0x158B0]  }
0x4f: {  	v8 =	vld [tilespmem:s29+$0x158C0]  }
0x50: {  	v12 =	vmul.f32 v12, v6;
	v6 =	vld [tilespmem:s29+$0x158D0]  }
0x51: {  	s30 =	sadd.s32 $0x200, s30;
	v11 =	vmul.f32 v11, v7;
	v7 =	vld [tilespmem:s29+$0x158E0]  }
0x52: {  	[tilespmem:s29+$0x15880] =	vst v12;
	v5 =	vmul.f32 v5, v10;
	v63 =	vld [tilespmem:s29+$0x158F0]  }
0x53: {  	[tilespmem:s29+$0x15890] =	vst v11;
	v4 =	vmul.f32 v4, v9  }
0x54: {  	[tilespmem:s29+$0x158A0] =	vst v5;
	v3 =	vmul.f32 v3, v8  }
0x55: {  	[tilespmem:s29+$0x158B0] =	vst v4;
	v2 =	vmul.f32 v2, v6  }
0x56: {  	[tilespmem:s29+$0x158C0] =	vst v3;
	v1 =	vmul.f32 v1, v7  }
0x57: {  	s26 =	sadd.s32 $0x1, s26;
	[tilespmem:s29+$0x158D0] =	vst v2;
	v0 =	vmul.f32 v0, v63  }
0x58: {  	p1 =	sne.s32 s26, $0x19;
	[tilespmem:s29+$0x158E0] =	vst v1  }
.Ltmp1:
0x59: {  	s28 =	sadd.s32 $0x14880, s28;
	[tilespmem:s29+$0x158F0] =	vst v0;
	(pc) =	sbr.rel @p1 .LBB2_3-.Ltmp1, $4  }
0x5a: {  	[spmem:s2] =	stream.indirect.scatter.add.f32 [tilespmem:s20], [sflag:$0x2], $0x80, s28, s19, $0xb8;
	[tilespmem:$0x1A880] =	vst v63  }
0x5b: {  	_ =	swait.ge [sflag:s15], $0x2800  }
0x5c: {  	[sflag:s15] =	ssyncset.done $0x0  }
0x5d: {  	[sflag:s15] =	ssyncadd.s32 $0xFFFFD800  }
0x5e: {  	s23 =	sadd.s32 $0x1, s23  }
0x5f: {  	p1 =	sne.s32 s23, $0x5  }
.Ltmp2:
0x60: {  	_ = 	snop;
	(pc) =	sbr.rel @p1 .LBB2_2-.Ltmp2, $1  }
0x61: {  	_ =	sdelay $0x3  }
0x62: {  	[bflag:$0x0] =	sbarrier.arrive $0xFFFF  }
0x63: {  	[hbm:s11], [sflag:s9] =	dma.local [spmem:s14], $0x2700  }
0x64: {  	s3 =	sadd.s32 $0x1, s3;
	_ =	swait.ge [sflag:s15], $0x2700  }
0x65: {  	p1 =	sne.s32 s3, s13;
	[sflag:s15] =	ssyncset.done $0x0  }
.Ltmp3:
0x66: {  	s23 =	simm.s32 @!p0 $0x2;
	[sflag:s15] =	ssyncadd.s32 $0xFFFFD900;
	(pc) =	sbr.rel @p1 .LBB2_1-.Ltmp3, $4  }
0x67: {  	[hbm:s12], [sflag:s9] =	dma.local @!p0 [spmem:s16], $0x100  }
0x68: {  	_ =	swait.ge @!p0 [sflag:s23], $0x100  }
0x69: {  	[sflag:s23] =	ssyncset.done @!p0 $0x0  }
0x6a: {  	[sflag:s23] =	ssyncadd.s32 @!p0 $0xFFFFFF00  }
0x6b: {  	_ =	sfence.sel $0x180000  }
0x6c: {  	[bflag:$0x0] =	sbarrier.arrive $0xFFFF  }
0x6d: {  	_ =	strace $0x90000047  }
0x6e: {  	s0 =	sadd.s32 @!p0 $0x100000, s0;
	[bflag:$0x2] =	sbarrier.arrive $0xFFFF  }
0x6f: {  	[sflag:s0] =	ssyncadd.tile.s32 @!p0 $0x1;
	_ =	shalt  }
.Lfunc_end2:
_tile_overlayer_lowered:
.L_overlay_start_2:
0x70: {  	(tag) =	ssettag $0x2  }
0x71: {  	s0 =	rddreg [dreg:$0x0];
	s2 =	stileid.u32  }
0x72: {  	s1 =	rddreg [dreg:$0x1];
	p0 =	sne.s32 s2, $0x0  }
0x73: {  	s3 =	rddreg [dreg:$0x2];
	[bflag:$0x3] =	sbarrier.arrive $0xFFFF;
	s2 =	simm.s32 @!p0 $0x1C02  }
0x74: {  	[timem:s3], [sflag:s2] =	dma.local @!p0 [hbm:s0], s1  }
0x75: {  	s0 =	simm.s32 @!p0 $0x2  }
0x76: {  	_ =	swait.ge @!p0 [sflag:s0], s1  }
0x77: {  	s1 =	ssub.s32 @!p0 $0x0, s1;
	[sflag:s0] =	ssyncset.done @!p0 $0x0  }
0x78: {  	[sflag:s0] =	ssyncadd.s32 @!p0 s1  }
0x79: {  	[bflag:$0x3] =	sbarrier.arrive $0xFFFF  }
0x7a: {  	_ =	shalt  }

</sc_bundles>
